<compile_context>
chip_gen: v7x
topology: tpu7x:2x2x1
jax: 0.10.2.dev20260603
libtpu: 0.0.44.dev20260713+nightly
codegen_flags: <defaults>
</compile_context>

<pallas_src>
import functools

import jax
import jax.numpy as jnp
from jax import lax
from jax.experimental import pallas as pl
from jax.experimental.pallas import tpu as pltpu
from jax.experimental.pallas import tpu_sc as plsc

NC, NS = 2, 16
NW = NC * NS
SC_CHUNK = 40
ROWS = 8 * SC_CHUNK


def _sc_gather_tiled(table, idx_t, B, S):
    V, E = table.shape
    SPB = S // SC_CHUNK
    n_chunks = (B // 8) * SPB
    per_w = n_chunks // NW
    CB = SC_CHUNK * E
    mesh = plsc.VectorSubcoreMesh(core_axis_name="c", subcore_axis_name="s")

    @functools.partial(
        pl.kernel,
        out_type=jax.ShapeDtypeStruct((B, S * E), table.dtype),
        mesh=mesh,
        scratch_types=[
            pltpu.VMEM((per_w * ROWS,), jnp.int32),
            pltpu.VMEM((2, ROWS, E), table.dtype),
            pltpu.SemaphoreType.DMA,
            pltpu.SemaphoreType.DMA,
            pltpu.SemaphoreType.DMA,
            pltpu.SemaphoreType.DMA,
        ],
    )
    def gather_kernel(table_hbm, idx_hbm, out_hbm, idx_all, rows_v,
                      gsem0, gsem1, wsem0, wsem1):
        wid = lax.axis_index("s") * NC + lax.axis_index("c")
        g0 = wid * per_w
        gsems = (gsem0, gsem1)
        wsems = (wsem0, wsem1)

        pltpu.sync_copy(idx_hbm.at[pl.ds(pl.multiple_of(g0 * ROWS, ROWS),
                                         per_w * ROWS)], idx_all)

        def idx_slice(i):
            return idx_all.at[pl.ds(pl.multiple_of(i * ROWS, ROWS), ROWS)]

        def dst(g):
            bt = g // SPB
            sc = lax.rem(g, SPB)
            return out_hbm.at[pl.ds(bt * 8, 8), pl.ds(sc * CB, CB)]

        def start_gather(i, slot):
            pltpu.async_copy(table_hbm.at[idx_slice(i)], rows_v.at[slot],
                             gsems[slot])

        def wait_gather(i, slot):
            pltpu.make_async_copy(table_hbm.at[idx_slice(i)],
                                  rows_v.at[slot], gsems[slot]).wait()

        def start_write(g, slot):
            pltpu.async_copy(rows_v.at[slot].reshape(8, CB), dst(g),
                             wsems[slot])

        def wait_write(g, slot):
            pltpu.make_async_copy(rows_v.at[slot].reshape(8, CB), dst(g),
                                  wsems[slot]).wait()

        def do_iter(i, cur, nxt):
            @pl.when(i + 1 < per_w)
            def _():
                @pl.when(i >= 1)
                def _():
                    wait_write(g0 + i - 1, nxt)
                start_gather(i + 1, nxt)

            wait_gather(i, cur)
            start_write(g0 + i, cur)

        start_gather(0, 0)

        def body(i, carry):
            @pl.when(lax.rem(i, 2) == 0)
            def _():
                do_iter(i, 0, 1)

            @pl.when(lax.rem(i, 2) == 1)
            def _():
                do_iter(i, 1, 0)
            return carry

        lax.fori_loop(0, per_w, body, 0)
        wait_write(g0 + per_w - 2, (per_w - 2) % 2)
        wait_write(g0 + per_w - 1, (per_w - 1) % 2)

    return gather_kernel(table, idx_t)


def _tc_mlp(h, W1, b1, W2, b2):
    B, K = h.shape
    H = W1.shape[0]
    BM = 128
    grid = (B // BM,)

    def body(hb, w1, b1r, w2, b2r, ob):
        acc = lax.dot_general(hb[...], w1[...], (((1,), (1,)), ((), ())),
                              preferred_element_type=jnp.float32)
        hrelu = jnp.maximum(acc + b1r[...], 0.0)
        s = jnp.sum(hrelu * w2[...], axis=1, keepdims=True)
        ob[...] = s + b2r[0, 0]

    return pl.pallas_call(
        body,
        grid=grid,
        in_specs=[
            pl.BlockSpec((BM, K), lambda i: (i, 0)),
            pl.BlockSpec((H, K), lambda i: (0, 0)),
            pl.BlockSpec((1, H), lambda i: (0, 0)),
            pl.BlockSpec((1, H), lambda i: (0, 0)),
            pl.BlockSpec((1, 1), lambda i: (0, 0)),
        ],
        out_specs=pl.BlockSpec((BM, 1), lambda i: (i, 0)),
        out_shape=jax.ShapeDtypeStruct((B, 1), jnp.float32),
    )(h, W1, b1.reshape(1, H), W2, b2.reshape(1, 1))


def kernel(x, emb, W1, b1, W2, b2):
    B, S = x.shape
    V, E = emb.shape
    BH = B // 2
    outs = []
    for p in range(2):
        xp = lax.slice_in_dim(x, p * BH, (p + 1) * BH, axis=0)
        idx_t = (xp.astype(jnp.int32)
                 .reshape(BH // 8, 8, S // SC_CHUNK, SC_CHUNK)
                 .transpose(0, 2, 1, 3)
                 .reshape(-1))
        h = _sc_gather_tiled(emb, idx_t, BH, S)
        outs.append(_tc_mlp(h, W1, b1, W2, b2))
    return jnp.concatenate(outs, axis=0)

# --- scband reference (transcript-rebuilt; emitter-appended) ---
"""Pipeline reference for scband-pattern-detector-2972117369022 (READ-ONLY COPY).

The authoritative reference and input builder live on the scoring server;
editing this copy changes nothing except your own understanding.
"""

import jax, jax.numpy as jnp
import numpy as np

VOCAB = 100000
EMBED = 128
SEQ = 200
BATCH = 4096
HID = 64

def setup_inputs(seed: int = 0) -> dict:
    key = jax.random.key(seed)
    k1, k2, k3, k4, k5, k6 = jax.random.split(key, 6)
    x = jax.random.randint(k1, (BATCH, SEQ), 0, VOCAB, dtype=jnp.int64)
    emb = jax.random.normal(k2, (VOCAB, EMBED), dtype=jnp.float32)
    fan_in1 = EMBED * SEQ
    W1 = jax.random.uniform(k3, (HID, fan_in1), dtype=jnp.float32, minval=-1.0, maxval=1.0) / jnp.sqrt(fan_in1)
    b1 = jax.random.uniform(k4, (HID,), dtype=jnp.float32, minval=-1.0, maxval=1.0) / jnp.sqrt(fan_in1)
    W2 = jax.random.uniform(k5, (1, HID), dtype=jnp.float32, minval=-1.0, maxval=1.0) / jnp.sqrt(HID)
    b2 = jax.random.uniform(k6, (1,), dtype=jnp.float32, minval=-1.0, maxval=1.0) / jnp.sqrt(HID)
    return {"x": x, "emb": emb, "W1": W1, "b1": b1, "W2": W2, "b2": b2}

def reference(x, emb, W1, b1, W2, b2):
    h = jnp.take(emb, x, axis=0)           # [B, SEQ, EMBED] embedding gather
    h = h.reshape(h.shape[0], -1)           # [B, SEQ*EMBED]
    h = jnp.maximum(h @ W1.T + b1, 0.0)     # fc1 + relu
    out = h @ W2.T + b2                     # fc2
    return out

if __name__ == "__main__":
    import jax
    _d = setup_inputs()
    print(jax.jit(kernel)(*tuple(_d.values())))

</pallas_src>

<mosaic_0001>
#map = affine_map<(d0, d1) -> (0, 0)>
#map1 = affine_map<(d0, d1) -> (0)>
module attributes {stable_mosaic.version = 14 : i64} {
  func.func @gather_kernel(%arg0: i32, %arg1: i32, %arg2: memref<100000x128xf32, #tpu.memory_space<hbm>>, %arg3: memref<409600xi32, #tpu.memory_space<hbm>>, %arg4: memref<2048x25600xf32, #tpu.memory_space<hbm>>, %arg5: memref<12800xi32, #tpu.memory_space<vmem>>, %arg6: memref<2x320x128xf32, #tpu.memory_space<vmem>>, %arg7: memref<!tpu.dma_semaphore, #tpu.memory_space<semaphore_mem>>, %arg8: memref<!tpu.dma_semaphore, #tpu.memory_space<semaphore_mem>>, %arg9: memref<!tpu.dma_semaphore, #tpu.memory_space<semaphore_mem>>, %arg10: memref<!tpu.dma_semaphore, #tpu.memory_space<semaphore_mem>>) attributes {dimension_semantics = [#tpu.dimension_semantics<core_parallel>, #tpu.dimension_semantics<subcore_parallel>], iteration_bounds = array<i64: 2, 16>, scalar_prefetch = 0 : i64, scratch_operands = 6 : i64, tpu.core_type = #tpu.core_type<sc_vector_subcore>, window_params = [{transform_indices = #map}, {transform_indices = #map1}, {transform_indices = #map}]} {
    %mul3A = arith.constant 2 : i32
    %mul3A_0 = arith.muli %arg1, %mul3A : i32
    %add3A = arith.addi %mul3A_0, %arg0 : i32
    %mul3A_1 = arith.constant 40 : i32
    %mul3A_2 = arith.muli %add3A, %mul3A_1 : i32
    %mul3A_3 = arith.constant 320 : i32
    %mul3A_4 = arith.muli %mul3A_2, %mul3A_3 : i32
    %multiple_of3A = tpu.assume_multiple %mul3A_4, 320 : i32
    "tpu.region"() ({
      %run_scoped3A = tpu.sem_alloc : memref<!tpu.dma_semaphore, #tpu.memory_space<semaphore_mem>>
      %dma_start3A_105 = tpu.memref_slice %arg3[%multiple_of3A] : memref<409600xi32, #tpu.memory_space<hbm>> -> memref<12800xi32, #tpu.memory_space<hbm>>
      %dma_start3A_106 = tpu.memref_slice %arg3[%multiple_of3A] : memref<409600xi32, #tpu.memory_space<hbm>> -> memref<12800xi32, #tpu.memory_space<hbm>>
      tpu.enqueue_dma source(%dma_start3A_106 : memref<12800xi32, #tpu.memory_space<hbm>>) target(%arg5 : memref<12800xi32, #tpu.memory_space<vmem>>) target_semaphore(%run_scoped3A : memref<!tpu.dma_semaphore, #tpu.memory_space<semaphore_mem>>)
      %dma_wait3A_107 = tpu.memref_slice %arg3[%multiple_of3A] : memref<409600xi32, #tpu.memory_space<hbm>> -> memref<12800xi32, #tpu.memory_space<hbm>>
      %dma_wait3A_108 = tpu.memref_slice %arg3[%multiple_of3A] : memref<409600xi32, #tpu.memory_space<hbm>> -> memref<12800xi32, #tpu.memory_space<hbm>>
      tpu.wait_dma2 semaphore(%run_scoped3A : memref<!tpu.dma_semaphore, #tpu.memory_space<semaphore_mem>>) src(%dma_wait3A_108 : memref<12800xi32, #tpu.memory_space<hbm>>) dst(%arg5 : memref<12800xi32, #tpu.memory_space<vmem>>)
      tpu.yield
    }) : () -> ()
    %multiple_of3A_5 = arith.constant 0 : i32
    %multiple_of3A_6 = tpu.assume_multiple %multiple_of3A_5, 320 : i32
    %dma_start3A = arith.constant 0 : i32
    %dma_start3A_7 = arith.constant 0 : i32
    %dma_start3A_8 = arith.constant 0 : i32
    %dma_start3A_9 = tpu.memref_slice %arg6[%dma_start3A, %dma_start3A_7, %dma_start3A_8] : memref<2x320x128xf32, #tpu.memory_space<vmem>> -> memref<1x320x128xf32, #tpu.memory_space<vmem>>
    %dma_start3A_10 = tpu.memref_squeeze %dma_start3A_9 : memref<1x320x128xf32, #tpu.memory_space<vmem>> -> memref<320x128xf32, #tpu.memory_space<vmem>>
    %dma_start3A_11 = tpu.memref_slice %arg5[%multiple_of3A_6] : memref<12800xi32, #tpu.memory_space<vmem>> -> memref<320xi32, #tpu.memory_space<vmem>>
    %dma_start3A_12 = arith.constant 0 : i32
    %dma_start3A_13 = arith.constant 0 : i32
    %dma_start3A_14 = tpu.memref_slice %arg2[%dma_start3A_12, %dma_start3A_13] : memref<100000x128xf32, #tpu.memory_space<hbm>> -> memref<100000x128xf32, #tpu.memory_space<hbm>>
    tpu.enqueue_indirect_dma source(%dma_start3A_14 : memref<100000x128xf32, #tpu.memory_space<hbm>>) target(%dma_start3A_10 : memref<320x128xf32, #tpu.memory_space<vmem>>) offsets(%dma_start3A_11 : memref<320xi32, #tpu.memory_space<vmem>>) semaphore(%arg7 : memref<!tpu.dma_semaphore, #tpu.memory_space<semaphore_mem>>)
    %scan3A = arith.constant 0 : i32
    %scan3A_15 = arith.constant 0 : i32
    %scan3A_16 = arith.constant 40 : i32
    %scan3A_17 = arith.addi %scan3A_15, %scan3A_16 : i32
    %scan3A_18 = arith.constant 1 : i32
    scf.for %scan3A_105 = %scan3A_15 to %scan3A_17 step %scan3A_18  : i32 {
      %rem3A_106 = arith.constant 2 : i32
      %rem3A_107 = arith.remsi %scan3A_105, %rem3A_106 : i32
      %eq3A = arith.constant 0 : i32
      %eq3A_108 = arith.cmpi eq, %rem3A_107, %eq3A : i32
      %convert_element_type3A = arith.extui %eq3A_108 : i1 to i32
      %cond3A = arith.constant 0 : i32
      %cond3A_109 = arith.cmpi ne, %convert_element_type3A, %cond3A : i32
      scf.if %cond3A_109 {
        %add3A_117 = arith.constant 1 : i32
        %add3A_118 = arith.addi %scan3A_105, %add3A_117 : i32
        %lt3A = arith.constant 40 : i32
        %lt3A_119 = arith.cmpi slt, %add3A_118, %lt3A : i32
        %convert_element_type3A_120 = arith.extui %lt3A_119 : i1 to i32
        %cond3A_121 = arith.constant 0 : i32
        %cond3A_122 = arith.cmpi ne, %convert_element_type3A_120, %cond3A_121 : i32
        scf.if %cond3A_122 {
          %ge3A = arith.constant 1 : i32
          %ge3A_179 = arith.cmpi sge, %scan3A_105, %ge3A : i32
          %convert_element_type3A_180 = arith.extui %ge3A_179 : i1 to i32
          %cond3A_181 = arith.constant 0 : i32
          %cond3A_182 = arith.cmpi ne, %convert_element_type3A_180, %cond3A_181 : i32
          scf.if %cond3A_182 {
            %add3A_197 = arith.addi %mul3A_2, %scan3A_105 : i32
            %sub3A_198 = arith.constant 1 : i32
            %sub3A_199 = arith.subi %add3A_197, %sub3A_198 : i32
            %jit3A_200 = arith.constant 5 : i32
            %div3A_201 = arith.divsi %sub3A_199, %jit3A_200 : i32
            %sign3A_202 = arith.constant 0 : i32
            %sign3A_203 = arith.cmpi sgt, %sub3A_199, %sign3A_202 : i32
            %sign3A_204 = arith.extui %sign3A_203 : i1 to i32
            %sign3A_205 = arith.constant 0 : i32
            %sign3A_206 = arith.cmpi slt, %sub3A_199, %sign3A_205 : i32
            %sign3A_207 = arith.extui %sign3A_206 : i1 to i32
            %sign3A_208 = arith.subi %sign3A_204, %sign3A_207 : i32
            %sign3A_209 = arith.constant 0 : i32
            %sign3A_210 = arith.cmpi sgt, %jit3A_200, %sign3A_209 : i32
            %sign3A_211 = arith.extui %sign3A_210 : i1 to i32
            %sign3A_212 = arith.constant 0 : i32
            %sign3A_213 = arith.cmpi slt, %jit3A_200, %sign3A_212 : i32
            %sign3A_214 = arith.extui %sign3A_213 : i1 to i32
            %sign3A_215 = arith.subi %sign3A_211, %sign3A_214 : i32
            %ne3A_216 = arith.cmpi ne, %sign3A_208, %sign3A_215 : i32
            %rem3A_217 = arith.remsi %sub3A_199, %jit3A_200 : i32
            %ne3A_218 = arith.constant 0 : i32
            %ne3A_219 = arith.cmpi ne, %rem3A_217, %ne3A_218 : i32
            %and3A_220 = arith.andi %ne3A_216, %ne3A_219 : i1
            %sub3A_221 = arith.constant 1 : i32
            %sub3A_222 = arith.subi %div3A_201, %sub3A_221 : i32
            %select_n3A_223 = arith.select %and3A_220, %sub3A_222, %div3A_201 : i32
            %rem3A_224 = arith.constant 5 : i32
            %rem3A_225 = arith.remsi %sub3A_199, %rem3A_224 : i32
            %mul3A_226 = arith.constant 8 : i32
            %mul3A_227 = arith.muli %select_n3A_223, %mul3A_226 : i32
            %mul3A_228 = arith.constant 5120 : i32
            %mul3A_229 = arith.muli %rem3A_225, %mul3A_228 : i32
            %dma_wait3A_230 = arith.constant 1 : i32
            %dma_wait3A_231 = arith.constant 0 : i32
            %dma_wait3A_232 = arith.constant 0 : i32
            %dma_wait3A_233 = tpu.memref_slice %arg6[%dma_wait3A_230, %dma_wait3A_231, %dma_wait3A_232] : memref<2x320x128xf32, #tpu.memory_space<vmem>> -> memref<1x320x128xf32, #tpu.memory_space<vmem>>
            %dma_wait3A_234 = tpu.memref_squeeze %dma_wait3A_233 : memref<1x320x128xf32, #tpu.memory_space<vmem>> -> memref<320x128xf32, #tpu.memory_space<vmem>>
            %dma_wait3A_235 = tpu.memref_reshape %dma_wait3A_234 : memref<320x128xf32, #tpu.memory_space<vmem>> -> memref<8x5120xf32, #tpu.memory_space<vmem>>
            %dma_wait3A_236 = tpu.memref_slice %arg4[%mul3A_227, %mul3A_229] : memref<2048x25600xf32, #tpu.memory_space<hbm>> -> memref<8x5120xf32, #tpu.memory_space<hbm>>
            %dma_wait3A_237 = tpu.memref_slice %arg4[%mul3A_227, %mul3A_229] : memref<2048x25600xf32, #tpu.memory_space<hbm>> -> memref<8x5120xf32, #tpu.memory_space<hbm>>
            %dma_wait3A_238 = arith.constant 0 : i32
            %dma_wait3A_239 = arith.constant 0 : i32
            %dma_wait3A_240 = tpu.memref_slice %arg6[%dma_wait3A_230, %dma_wait3A_238, %dma_wait3A_239] : memref<2x320x128xf32, #tpu.memory_space<vmem>> -> memref<1x320x128xf32, #tpu.memory_space<vmem>>
            %dma_wait3A_241 = tpu.memref_squeeze %dma_wait3A_240 : memref<1x320x128xf32, #tpu.memory_space<vmem>> -> memref<320x128xf32, #tpu.memory_space<vmem>>
            %dma_wait3A_242 = tpu.memref_reshape %dma_wait3A_241 : memref<320x128xf32, #tpu.memory_space<vmem>> -> memref<8x5120xf32, #tpu.memory_space<vmem>>
            tpu.wait_dma2 semaphore(%arg10 : memref<!tpu.dma_semaphore, #tpu.memory_space<semaphore_mem>>) src(%dma_wait3A_242 : memref<8x5120xf32, #tpu.memory_space<vmem>>) dst(%dma_wait3A_237 : memref<8x5120xf32, #tpu.memory_space<hbm>>)
          } else {
          }
          %add3A_183 = arith.constant 1 : i32
          %add3A_184 = arith.addi %scan3A_105, %add3A_183 : i32
          %mul3A_185 = arith.constant 320 : i32
          %mul3A_186 = arith.muli %add3A_184, %mul3A_185 : i32
          %multiple_of3A_187 = tpu.assume_multiple %mul3A_186, 320 : i32
          %dma_start3A_188 = arith.constant 1 : i32
          %dma_start3A_189 = arith.constant 0 : i32
          %dma_start3A_190 = arith.constant 0 : i32
          %dma_start3A_191 = tpu.memref_slice %arg6[%dma_start3A_188, %dma_start3A_189, %dma_start3A_190] : memref<2x320x128xf32, #tpu.memory_space<vmem>> -> memref<1x320x128xf32, #tpu.memory_space<vmem>>
          %dma_start3A_192 = tpu.memref_squeeze %dma_start3A_191 : memref<1x320x128xf32, #tpu.memory_space<vmem>> -> memref<320x128xf32, #tpu.memory_space<vmem>>
          %dma_start3A_193 = tpu.memref_slice %arg5[%multiple_of3A_187] : memref<12800xi32, #tpu.memory_space<vmem>> -> memref<320xi32, #tpu.memory_space<vmem>>
          %dma_start3A_194 = arith.constant 0 : i32
          %dma_start3A_195 = arith.constant 0 : i32
          %dma_start3A_196 = tpu.memref_slice %arg2[%dma_start3A_194, %dma_start3A_195] : memref<100000x128xf32, #tpu.memory_space<hbm>> -> memref<100000x128xf32, #tpu.memory_space<hbm>>
          tpu.enqueue_indirect_dma source(%dma_start3A_196 : memref<100000x128xf32, #tpu.memory_space<hbm>>) target(%dma_start3A_192 : memref<320x128xf32, #tpu.memory_space<vmem>>) offsets(%dma_start3A_193 : memref<320xi32, #tpu.memory_space<vmem>>) semaphore(%arg8 : memref<!tpu.dma_semaphore, #tpu.memory_space<semaphore_mem>>)
        } else {
        }
        %mul3A_123 = arith.constant 320 : i32
        %mul3A_124 = arith.muli %scan3A_105, %mul3A_123 : i32
        %multiple_of3A_125 = tpu.assume_multiple %mul3A_124, 320 : i32
        %dma_wait3A_126 = arith.constant 0 : i32
        %dma_wait3A_127 = arith.constant 0 : i32
        %dma_wait3A_128 = arith.constant 0 : i32
        %dma_wait3A_129 = tpu.memref_slice %arg6[%dma_wait3A_126, %dma_wait3A_127, %dma_wait3A_128] : memref<2x320x128xf32, #tpu.memory_space<vmem>> -> memref<1x320x128xf32, #tpu.memory_space<vmem>>
        %dma_wait3A_130 = tpu.memref_squeeze %dma_wait3A_129 : memref<1x320x128xf32, #tpu.memory_space<vmem>> -> memref<320x128xf32, #tpu.memory_space<vmem>>
        %dma_wait3A_131 = tpu.memref_slice %arg5[%multiple_of3A_125] : memref<12800xi32, #tpu.memory_space<vmem>> -> memref<320xi32, #tpu.memory_space<vmem>>
        %dma_wait3A_132 = arith.constant 0 : i32
        %dma_wait3A_133 = arith.constant 0 : i32
        %dma_wait3A_134 = tpu.memref_slice %arg2[%dma_wait3A_132, %dma_wait3A_133] : memref<100000x128xf32, #tpu.memory_space<hbm>> -> memref<100000x128xf32, #tpu.memory_space<hbm>>
        tpu.wait_indirect_dma semaphore(%arg7 : memref<!tpu.dma_semaphore, #tpu.memory_space<semaphore_mem>>) src(%dma_wait3A_134 : memref<100000x128xf32, #tpu.memory_space<hbm>>) dst(%dma_wait3A_130 : memref<320x128xf32, #tpu.memory_space<vmem>>)
        %add3A_135 = arith.addi %mul3A_2, %scan3A_105 : i32
        %jit3A_136 = arith.constant 5 : i32
        %div3A_137 = arith.divsi %add3A_135, %jit3A_136 : i32
        %sign3A_138 = arith.constant 0 : i32
        %sign3A_139 = arith.cmpi sgt, %add3A_135, %sign3A_138 : i32
        %sign3A_140 = arith.extui %sign3A_139 : i1 to i32
        %sign3A_141 = arith.constant 0 : i32
        %sign3A_142 = arith.cmpi slt, %add3A_135, %sign3A_141 : i32
        %sign3A_143 = arith.extui %sign3A_142 : i1 to i32
        %sign3A_144 = arith.subi %sign3A_140, %sign3A_143 : i32
        %sign3A_145 = arith.constant 0 : i32
        %sign3A_146 = arith.cmpi sgt, %jit3A_136, %sign3A_145 : i32
        %sign3A_147 = arith.extui %sign3A_146 : i1 to i32
        %sign3A_148 = arith.constant 0 : i32
        %sign3A_149 = arith.cmpi slt, %jit3A_136, %sign3A_148 : i32
        %sign3A_150 = arith.extui %sign3A_149 : i1 to i32
        %sign3A_151 = arith.subi %sign3A_147, %sign3A_150 : i32
        %ne3A_152 = arith.cmpi ne, %sign3A_144, %sign3A_151 : i32
        %rem3A_153 = arith.remsi %add3A_135, %jit3A_136 : i32
        %ne3A_154 = arith.constant 0 : i32
        %ne3A_155 = arith.cmpi ne, %rem3A_153, %ne3A_154 : i32
        %and3A_156 = arith.andi %ne3A_152, %ne3A_155 : i1
        %sub3A_157 = arith.constant 1 : i32
        %sub3A_158 = arith.subi %div3A_137, %sub3A_157 : i32
        %select_n3A_159 = arith.select %and3A_156, %sub3A_158, %div3A_137 : i32
        %rem3A_160 = arith.constant 5 : i32
        %rem3A_161 = arith.remsi %add3A_135, %rem3A_160 : i32
        %mul3A_162 = arith.constant 8 : i32
        %mul3A_163 = arith.muli %select_n3A_159, %mul3A_162 : i32
        %mul3A_164 = arith.constant 5120 : i32
        %mul3A_165 = arith.muli %rem3A_161, %mul3A_164 : i32
        %dma_start3A_166 = arith.constant 0 : i32
        %dma_start3A_167 = arith.constant 0 : i32
        %dma_start3A_168 = arith.constant 0 : i32
        %dma_start3A_169 = tpu.memref_slice %arg6[%dma_start3A_166, %dma_start3A_167, %dma_start3A_168] : memref<2x320x128xf32, #tpu.memory_space<vmem>> -> memref<1x320x128xf32, #tpu.memory_space<vmem>>
        %dma_start3A_170 = tpu.memref_squeeze %dma_start3A_169 : memref<1x320x128xf32, #tpu.memory_space<vmem>> -> memref<320x128xf32, #tpu.memory_space<vmem>>
        %dma_start3A_171 = tpu.memref_reshape %dma_start3A_170 : memref<320x128xf32, #tpu.memory_space<vmem>> -> memref<8x5120xf32, #tpu.memory_space<vmem>>
        %dma_start3A_172 = tpu.memref_slice %arg4[%mul3A_163, %mul3A_165] : memref<2048x25600xf32, #tpu.memory_space<hbm>> -> memref<8x5120xf32, #tpu.memory_space<hbm>>
        %dma_start3A_173 = tpu.memref_slice %arg4[%mul3A_163, %mul3A_165] : memref<2048x25600xf32, #tpu.memory_space<hbm>> -> memref<8x5120xf32, #tpu.memory_space<hbm>>
        %dma_start3A_174 = arith.constant 0 : i32
        %dma_start3A_175 = arith.constant 0 : i32
        %dma_start3A_176 = tpu.memref_slice %arg6[%dma_start3A_166, %dma_start3A_174, %dma_start3A_175] : memref<2x320x128xf32, #tpu.memory_space<vmem>> -> memref<1x320x128xf32, #tpu.memory_space<vmem>>
        %dma_start3A_177 = tpu.memref_squeeze %dma_start3A_176 : memref<1x320x128xf32, #tpu.memory_space<vmem>> -> memref<320x128xf32, #tpu.memory_space<vmem>>
        %dma_start3A_178 = tpu.memref_reshape %dma_start3A_177 : memref<320x128xf32, #tpu.memory_space<vmem>> -> memref<8x5120xf32, #tpu.memory_space<vmem>>
        tpu.enqueue_dma source(%dma_start3A_178 : memref<8x5120xf32, #tpu.memory_space<vmem>>) target(%dma_start3A_173 : memref<8x5120xf32, #tpu.memory_space<hbm>>) target_semaphore(%arg9 : memref<!tpu.dma_semaphore, #tpu.memory_space<semaphore_mem>>)
      } else {
      }
      %rem3A_110 = arith.constant 2 : i32
      %rem3A_111 = arith.remsi %scan3A_105, %rem3A_110 : i32
      %eq3A_112 = arith.constant 1 : i32
      %eq3A_113 = arith.cmpi eq, %rem3A_111, %eq3A_112 : i32
      %convert_element_type3A_114 = arith.extui %eq3A_113 : i1 to i32
      %cond3A_115 = arith.constant 0 : i32
      %cond3A_116 = arith.cmpi ne, %convert_element_type3A_114, %cond3A_115 : i32
      scf.if %cond3A_116 {
        %add3A_117 = arith.constant 1 : i32
        %add3A_118 = arith.addi %scan3A_105, %add3A_117 : i32
        %lt3A = arith.constant 40 : i32
        %lt3A_119 = arith.cmpi slt, %add3A_118, %lt3A : i32
        %convert_element_type3A_120 = arith.extui %lt3A_119 : i1 to i32
        %cond3A_121 = arith.constant 0 : i32
        %cond3A_122 = arith.cmpi ne, %convert_element_type3A_120, %cond3A_121 : i32
        scf.if %cond3A_122 {
          %ge3A = arith.constant 1 : i32
          %ge3A_179 = arith.cmpi sge, %scan3A_105, %ge3A : i32
          %convert_element_type3A_180 = arith.extui %ge3A_179 : i1 to i32
          %cond3A_181 = arith.constant 0 : i32
          %cond3A_182 = arith.cmpi ne, %convert_element_type3A_180, %cond3A_181 : i32
          scf.if %cond3A_182 {
            %add3A_197 = arith.addi %mul3A_2, %scan3A_105 : i32
            %sub3A_198 = arith.constant 1 : i32
            %sub3A_199 = arith.subi %add3A_197, %sub3A_198 : i32
            %jit3A_200 = arith.constant 5 : i32
            %div3A_201 = arith.divsi %sub3A_199, %jit3A_200 : i32
            %sign3A_202 = arith.constant 0 : i32
            %sign3A_203 = arith.cmpi sgt, %sub3A_199, %sign3A_202 : i32
            %sign3A_204 = arith.extui %sign3A_203 : i1 to i32
            %sign3A_205 = arith.constant 0 : i32
            %sign3A_206 = arith.cmpi slt, %sub3A_199, %sign3A_205 : i32
            %sign3A_207 = arith.extui %sign3A_206 : i1 to i32
            %sign3A_208 = arith.subi %sign3A_204, %sign3A_207 : i32
            %sign3A_209 = arith.constant 0 : i32
            %sign3A_210 = arith.cmpi sgt, %jit3A_200, %sign3A_209 : i32
            %sign3A_211 = arith.extui %sign3A_210 : i1 to i32
            %sign3A_212 = arith.constant 0 : i32
            %sign3A_213 = arith.cmpi slt, %jit3A_200, %sign3A_212 : i32
            %sign3A_214 = arith.extui %sign3A_213 : i1 to i32
            %sign3A_215 = arith.subi %sign3A_211, %sign3A_214 : i32
            %ne3A_216 = arith.cmpi ne, %sign3A_208, %sign3A_215 : i32
            %rem3A_217 = arith.remsi %sub3A_199, %jit3A_200 : i32
            %ne3A_218 = arith.constant 0 : i32
            %ne3A_219 = arith.cmpi ne, %rem3A_217, %ne3A_218 : i32
            %and3A_220 = arith.andi %ne3A_216, %ne3A_219 : i1
            %sub3A_221 = arith.constant 1 : i32
            %sub3A_222 = arith.subi %div3A_201, %sub3A_221 : i32
            %select_n3A_223 = arith.select %and3A_220, %sub3A_222, %div3A_201 : i32
            %rem3A_224 = arith.constant 5 : i32
            %rem3A_225 = arith.remsi %sub3A_199, %rem3A_224 : i32
            %mul3A_226 = arith.constant 8 : i32
            %mul3A_227 = arith.muli %select_n3A_223, %mul3A_226 : i32
            %mul3A_228 = arith.constant 5120 : i32
            %mul3A_229 = arith.muli %rem3A_225, %mul3A_228 : i32
            %dma_wait3A_230 = arith.constant 0 : i32
            %dma_wait3A_231 = arith.constant 0 : i32
            %dma_wait3A_232 = arith.constant 0 : i32
            %dma_wait3A_233 = tpu.memref_slice %arg6[%dma_wait3A_230, %dma_wait3A_231, %dma_wait3A_232] : memref<2x320x128xf32, #tpu.memory_space<vmem>> -> memref<1x320x128xf32, #tpu.memory_space<vmem>>
            %dma_wait3A_234 = tpu.memref_squeeze %dma_wait3A_233 : memref<1x320x128xf32, #tpu.memory_space<vmem>> -> memref<320x128xf32, #tpu.memory_space<vmem>>
            %dma_wait3A_235 = tpu.memref_reshape %dma_wait3A_234 : memref<320x128xf32, #tpu.memory_space<vmem>> -> memref<8x5120xf32, #tpu.memory_space<vmem>>
            %dma_wait3A_236 = tpu.memref_slice %arg4[%mul3A_227, %mul3A_229] : memref<2048x25600xf32, #tpu.memory_space<hbm>> -> memref<8x5120xf32, #tpu.memory_space<hbm>>
            %dma_wait3A_237 = tpu.memref_slice %arg4[%mul3A_227, %mul3A_229] : memref<2048x25600xf32, #tpu.memory_space<hbm>> -> memref<8x5120xf32, #tpu.memory_space<hbm>>
            %dma_wait3A_238 = arith.constant 0 : i32
            %dma_wait3A_239 = arith.constant 0 : i32
            %dma_wait3A_240 = tpu.memref_slice %arg6[%dma_wait3A_230, %dma_wait3A_238, %dma_wait3A_239] : memref<2x320x128xf32, #tpu.memory_space<vmem>> -> memref<1x320x128xf32, #tpu.memory_space<vmem>>
            %dma_wait3A_241 = tpu.memref_squeeze %dma_wait3A_240 : memref<1x320x128xf32, #tpu.memory_space<vmem>> -> memref<320x128xf32, #tpu.memory_space<vmem>>
            %dma_wait3A_242 = tpu.memref_reshape %dma_wait3A_241 : memref<320x128xf32, #tpu.memory_space<vmem>> -> memref<8x5120xf32, #tpu.memory_space<vmem>>
            tpu.wait_dma2 semaphore(%arg9 : memref<!tpu.dma_semaphore, #tpu.memory_space<semaphore_mem>>) src(%dma_wait3A_242 : memref<8x5120xf32, #tpu.memory_space<vmem>>) dst(%dma_wait3A_237 : memref<8x5120xf32, #tpu.memory_space<hbm>>)
          } else {
          }
          %add3A_183 = arith.constant 1 : i32
          %add3A_184 = arith.addi %scan3A_105, %add3A_183 : i32
          %mul3A_185 = arith.constant 320 : i32
          %mul3A_186 = arith.muli %add3A_184, %mul3A_185 : i32
          %multiple_of3A_187 = tpu.assume_multiple %mul3A_186, 320 : i32
          %dma_start3A_188 = arith.constant 0 : i32
          %dma_start3A_189 = arith.constant 0 : i32
          %dma_start3A_190 = arith.constant 0 : i32
          %dma_start3A_191 = tpu.memref_slice %arg6[%dma_start3A_188, %dma_start3A_189, %dma_start3A_190] : memref<2x320x128xf32, #tpu.memory_space<vmem>> -> memref<1x320x128xf32, #tpu.memory_space<vmem>>
          %dma_start3A_192 = tpu.memref_squeeze %dma_start3A_191 : memref<1x320x128xf32, #tpu.memory_space<vmem>> -> memref<320x128xf32, #tpu.memory_space<vmem>>
          %dma_start3A_193 = tpu.memref_slice %arg5[%multiple_of3A_187] : memref<12800xi32, #tpu.memory_space<vmem>> -> memref<320xi32, #tpu.memory_space<vmem>>
          %dma_start3A_194 = arith.constant 0 : i32
          %dma_start3A_195 = arith.constant 0 : i32
          %dma_start3A_196 = tpu.memref_slice %arg2[%dma_start3A_194, %dma_start3A_195] : memref<100000x128xf32, #tpu.memory_space<hbm>> -> memref<100000x128xf32, #tpu.memory_space<hbm>>
          tpu.enqueue_indirect_dma source(%dma_start3A_196 : memref<100000x128xf32, #tpu.memory_space<hbm>>) target(%dma_start3A_192 : memref<320x128xf32, #tpu.memory_space<vmem>>) offsets(%dma_start3A_193 : memref<320xi32, #tpu.memory_space<vmem>>) semaphore(%arg7 : memref<!tpu.dma_semaphore, #tpu.memory_space<semaphore_mem>>)
        } else {
        }
        %mul3A_123 = arith.constant 320 : i32
        %mul3A_124 = arith.muli %scan3A_105, %mul3A_123 : i32
        %multiple_of3A_125 = tpu.assume_multiple %mul3A_124, 320 : i32
        %dma_wait3A_126 = arith.constant 1 : i32
        %dma_wait3A_127 = arith.constant 0 : i32
        %dma_wait3A_128 = arith.constant 0 : i32
        %dma_wait3A_129 = tpu.memref_slice %arg6[%dma_wait3A_126, %dma_wait3A_127, %dma_wait3A_128] : memref<2x320x128xf32, #tpu.memory_space<vmem>> -> memref<1x320x128xf32, #tpu.memory_space<vmem>>
        %dma_wait3A_130 = tpu.memref_squeeze %dma_wait3A_129 : memref<1x320x128xf32, #tpu.memory_space<vmem>> -> memref<320x128xf32, #tpu.memory_space<vmem>>
        %dma_wait3A_131 = tpu.memref_slice %arg5[%multiple_of3A_125] : memref<12800xi32, #tpu.memory_space<vmem>> -> memref<320xi32, #tpu.memory_space<vmem>>
        %dma_wait3A_132 = arith.constant 0 : i32
        %dma_wait3A_133 = arith.constant 0 : i32
        %dma_wait3A_134 = tpu.memref_slice %arg2[%dma_wait3A_132, %dma_wait3A_133] : memref<100000x128xf32, #tpu.memory_space<hbm>> -> memref<100000x128xf32, #tpu.memory_space<hbm>>
        tpu.wait_indirect_dma semaphore(%arg8 : memref<!tpu.dma_semaphore, #tpu.memory_space<semaphore_mem>>) src(%dma_wait3A_134 : memref<100000x128xf32, #tpu.memory_space<hbm>>) dst(%dma_wait3A_130 : memref<320x128xf32, #tpu.memory_space<vmem>>)
        %add3A_135 = arith.addi %mul3A_2, %scan3A_105 : i32
        %jit3A_136 = arith.constant 5 : i32
        %div3A_137 = arith.divsi %add3A_135, %jit3A_136 : i32
        %sign3A_138 = arith.constant 0 : i32
        %sign3A_139 = arith.cmpi sgt, %add3A_135, %sign3A_138 : i32
        %sign3A_140 = arith.extui %sign3A_139 : i1 to i32
        %sign3A_141 = arith.constant 0 : i32
        %sign3A_142 = arith.cmpi slt, %add3A_135, %sign3A_141 : i32
        %sign3A_143 = arith.extui %sign3A_142 : i1 to i32
        %sign3A_144 = arith.subi %sign3A_140, %sign3A_143 : i32
        %sign3A_145 = arith.constant 0 : i32
        %sign3A_146 = arith.cmpi sgt, %jit3A_136, %sign3A_145 : i32
        %sign3A_147 = arith.extui %sign3A_146 : i1 to i32
        %sign3A_148 = arith.constant 0 : i32
        %sign3A_149 = arith.cmpi slt, %jit3A_136, %sign3A_148 : i32
        %sign3A_150 = arith.extui %sign3A_149 : i1 to i32
        %sign3A_151 = arith.subi %sign3A_147, %sign3A_150 : i32
        %ne3A_152 = arith.cmpi ne, %sign3A_144, %sign3A_151 : i32
        %rem3A_153 = arith.remsi %add3A_135, %jit3A_136 : i32
        %ne3A_154 = arith.constant 0 : i32
        %ne3A_155 = arith.cmpi ne, %rem3A_153, %ne3A_154 : i32
        %and3A_156 = arith.andi %ne3A_152, %ne3A_155 : i1
        %sub3A_157 = arith.constant 1 : i32
        %sub3A_158 = arith.subi %div3A_137, %sub3A_157 : i32
        %select_n3A_159 = arith.select %and3A_156, %sub3A_158, %div3A_137 : i32
        %rem3A_160 = arith.constant 5 : i32
        %rem3A_161 = arith.remsi %add3A_135, %rem3A_160 : i32
        %mul3A_162 = arith.constant 8 : i32
        %mul3A_163 = arith.muli %select_n3A_159, %mul3A_162 : i32
        %mul3A_164 = arith.constant 5120 : i32
        %mul3A_165 = arith.muli %rem3A_161, %mul3A_164 : i32
        %dma_start3A_166 = arith.constant 1 : i32
        %dma_start3A_167 = arith.constant 0 : i32
        %dma_start3A_168 = arith.constant 0 : i32
        %dma_start3A_169 = tpu.memref_slice %arg6[%dma_start3A_166, %dma_start3A_167, %dma_start3A_168] : memref<2x320x128xf32, #tpu.memory_space<vmem>> -> memref<1x320x128xf32, #tpu.memory_space<vmem>>
        %dma_start3A_170 = tpu.memref_squeeze %dma_start3A_169 : memref<1x320x128xf32, #tpu.memory_space<vmem>> -> memref<320x128xf32, #tpu.memory_space<vmem>>
        %dma_start3A_171 = tpu.memref_reshape %dma_start3A_170 : memref<320x128xf32, #tpu.memory_space<vmem>> -> memref<8x5120xf32, #tpu.memory_space<vmem>>
        %dma_start3A_172 = tpu.memref_slice %arg4[%mul3A_163, %mul3A_165] : memref<2048x25600xf32, #tpu.memory_space<hbm>> -> memref<8x5120xf32, #tpu.memory_space<hbm>>
        %dma_start3A_173 = tpu.memref_slice %arg4[%mul3A_163, %mul3A_165] : memref<2048x25600xf32, #tpu.memory_space<hbm>> -> memref<8x5120xf32, #tpu.memory_space<hbm>>
        %dma_start3A_174 = arith.constant 0 : i32
        %dma_start3A_175 = arith.constant 0 : i32
        %dma_start3A_176 = tpu.memref_slice %arg6[%dma_start3A_166, %dma_start3A_174, %dma_start3A_175] : memref<2x320x128xf32, #tpu.memory_space<vmem>> -> memref<1x320x128xf32, #tpu.memory_space<vmem>>
        %dma_start3A_177 = tpu.memref_squeeze %dma_start3A_176 : memref<1x320x128xf32, #tpu.memory_space<vmem>> -> memref<320x128xf32, #tpu.memory_space<vmem>>
        %dma_start3A_178 = tpu.memref_reshape %dma_start3A_177 : memref<320x128xf32, #tpu.memory_space<vmem>> -> memref<8x5120xf32, #tpu.memory_space<vmem>>
        tpu.enqueue_dma source(%dma_start3A_178 : memref<8x5120xf32, #tpu.memory_space<vmem>>) target(%dma_start3A_173 : memref<8x5120xf32, #tpu.memory_space<hbm>>) target_semaphore(%arg10 : memref<!tpu.dma_semaphore, #tpu.memory_space<semaphore_mem>>)
      } else {
      }
    }
    %scan3A_19 = arith.constant 40 : i32
    %add3A_20 = arith.constant 40 : i32
    %add3A_21 = arith.addi %mul3A_2, %add3A_20 : i32
    %sub3A = arith.constant 2 : i32
    %sub3A_22 = arith.subi %add3A_21, %sub3A : i32
    %jit3A = arith.constant 5 : i32
    %div3A = arith.divsi %sub3A_22, %jit3A : i32
    %sign3A = arith.constant 0 : i32
    %sign3A_23 = arith.cmpi sgt, %sub3A_22, %sign3A : i32
    %sign3A_24 = arith.extui %sign3A_23 : i1 to i32
    %sign3A_25 = arith.constant 0 : i32
    %sign3A_26 = arith.cmpi slt, %sub3A_22, %sign3A_25 : i32
    %sign3A_27 = arith.extui %sign3A_26 : i1 to i32
    %sign3A_28 = arith.subi %sign3A_24, %sign3A_27 : i32
    %sign3A_29 = arith.constant 0 : i32
    %sign3A_30 = arith.cmpi sgt, %jit3A, %sign3A_29 : i32
    %sign3A_31 = arith.extui %sign3A_30 : i1 to i32
    %sign3A_32 = arith.constant 0 : i32
    %sign3A_33 = arith.cmpi slt, %jit3A, %sign3A_32 : i32
    %sign3A_34 = arith.extui %sign3A_33 : i1 to i32
    %sign3A_35 = arith.subi %sign3A_31, %sign3A_34 : i32
    %ne3A = arith.cmpi ne, %sign3A_28, %sign3A_35 : i32
    %rem3A = arith.remsi %sub3A_22, %jit3A : i32
    %ne3A_36 = arith.constant 0 : i32
    %ne3A_37 = arith.cmpi ne, %rem3A, %ne3A_36 : i32
    %and3A = arith.andi %ne3A, %ne3A_37 : i1
    %sub3A_38 = arith.constant 1 : i32
    %sub3A_39 = arith.subi %div3A, %sub3A_38 : i32
    %select_n3A = arith.select %and3A, %sub3A_39, %div3A : i32
    %rem3A_40 = arith.constant 5 : i32
    %rem3A_41 = arith.remsi %sub3A_22, %rem3A_40 : i32
    %mul3A_42 = arith.constant 8 : i32
    %mul3A_43 = arith.muli %select_n3A, %mul3A_42 : i32
    %mul3A_44 = arith.constant 5120 : i32
    %mul3A_45 = arith.muli %rem3A_41, %mul3A_44 : i32
    %dma_wait3A = arith.constant 0 : i32
    %dma_wait3A_46 = arith.constant 0 : i32
    %dma_wait3A_47 = arith.constant 0 : i32
    %dma_wait3A_48 = tpu.memref_slice %arg6[%dma_wait3A, %dma_wait3A_46, %dma_wait3A_47] : memref<2x320x128xf32, #tpu.memory_space<vmem>> -> memref<1x320x128xf32, #tpu.memory_space<vmem>>
    %dma_wait3A_49 = tpu.memref_squeeze %dma_wait3A_48 : memref<1x320x128xf32, #tpu.memory_space<vmem>> -> memref<320x128xf32, #tpu.memory_space<vmem>>
    %dma_wait3A_50 = tpu.memref_reshape %dma_wait3A_49 : memref<320x128xf32, #tpu.memory_space<vmem>> -> memref<8x5120xf32, #tpu.memory_space<vmem>>
    %dma_wait3A_51 = tpu.memref_slice %arg4[%mul3A_43, %mul3A_45] : memref<2048x25600xf32, #tpu.memory_space<hbm>> -> memref<8x5120xf32, #tpu.memory_space<hbm>>
    %dma_wait3A_52 = tpu.memref_slice %arg4[%mul3A_43, %mul3A_45] : memref<2048x25600xf32, #tpu.memory_space<hbm>> -> memref<8x5120xf32, #tpu.memory_space<hbm>>
    %dma_wait3A_53 = arith.constant 0 : i32
    %dma_wait3A_54 = arith.constant 0 : i32
    %dma_wait3A_55 = tpu.memref_slice %arg6[%dma_wait3A, %dma_wait3A_53, %dma_wait3A_54] : memref<2x320x128xf32, #tpu.memory_space<vmem>> -> memref<1x320x128xf32, #tpu.memory_space<vmem>>
    %dma_wait3A_56 = tpu.memref_squeeze %dma_wait3A_55 : memref<1x320x128xf32, #tpu.memory_space<vmem>> -> memref<320x128xf32, #tpu.memory_space<vmem>>
    %dma_wait3A_57 = tpu.memref_reshape %dma_wait3A_56 : memref<320x128xf32, #tpu.memory_space<vmem>> -> memref<8x5120xf32, #tpu.memory_space<vmem>>
    tpu.wait_dma2 semaphore(%arg9 : memref<!tpu.dma_semaphore, #tpu.memory_space<semaphore_mem>>) src(%dma_wait3A_57 : memref<8x5120xf32, #tpu.memory_space<vmem>>) dst(%dma_wait3A_52 : memref<8x5120xf32, #tpu.memory_space<hbm>>)
    %add3A_58 = arith.constant 40 : i32
    %add3A_59 = arith.addi %mul3A_2, %add3A_58 : i32
    %sub3A_60 = arith.constant 1 : i32
    %sub3A_61 = arith.subi %add3A_59, %sub3A_60 : i32
    %jit3A_62 = arith.constant 5 : i32
    %div3A_63 = arith.divsi %sub3A_61, %jit3A_62 : i32
    %sign3A_64 = arith.constant 0 : i32
    %sign3A_65 = arith.cmpi sgt, %sub3A_61, %sign3A_64 : i32
    %sign3A_66 = arith.extui %sign3A_65 : i1 to i32
    %sign3A_67 = arith.constant 0 : i32
    %sign3A_68 = arith.cmpi slt, %sub3A_61, %sign3A_67 : i32
    %sign3A_69 = arith.extui %sign3A_68 : i1 to i32
    %sign3A_70 = arith.subi %sign3A_66, %sign3A_69 : i32
    %sign3A_71 = arith.constant 0 : i32
    %sign3A_72 = arith.cmpi sgt, %jit3A_62, %sign3A_71 : i32
    %sign3A_73 = arith.extui %sign3A_72 : i1 to i32
    %sign3A_74 = arith.constant 0 : i32
    %sign3A_75 = arith.cmpi slt, %jit3A_62, %sign3A_74 : i32
    %sign3A_76 = arith.extui %sign3A_75 : i1 to i32
    %sign3A_77 = arith.subi %sign3A_73, %sign3A_76 : i32
    %ne3A_78 = arith.cmpi ne, %sign3A_70, %sign3A_77 : i32
    %rem3A_79 = arith.remsi %sub3A_61, %jit3A_62 : i32
    %ne3A_80 = arith.constant 0 : i32
    %ne3A_81 = arith.cmpi ne, %rem3A_79, %ne3A_80 : i32
    %and3A_82 = arith.andi %ne3A_78, %ne3A_81 : i1
    %sub3A_83 = arith.constant 1 : i32
    %sub3A_84 = arith.subi %div3A_63, %sub3A_83 : i32
    %select_n3A_85 = arith.select %and3A_82, %sub3A_84, %div3A_63 : i32
    %rem3A_86 = arith.constant 5 : i32
    %rem3A_87 = arith.remsi %sub3A_61, %rem3A_86 : i32
    %mul3A_88 = arith.constant 8 : i32
    %mul3A_89 = arith.muli %select_n3A_85, %mul3A_88 : i32
    %mul3A_90 = arith.constant 5120 : i32
    %mul3A_91 = arith.muli %rem3A_87, %mul3A_90 : i32
    %dma_wait3A_92 = arith.constant 1 : i32
    %dma_wait3A_93 = arith.constant 0 : i32
    %dma_wait3A_94 = arith.constant 0 : i32
    %dma_wait3A_95 = tpu.memref_slice %arg6[%dma_wait3A_92, %dma_wait3A_93, %dma_wait3A_94] : memref<2x320x128xf32, #tpu.memory_space<vmem>> -> memref<1x320x128xf32, #tpu.memory_space<vmem>>
    %dma_wait3A_96 = tpu.memref_squeeze %dma_wait3A_95 : memref<1x320x128xf32, #tpu.memory_space<vmem>> -> memref<320x128xf32, #tpu.memory_space<vmem>>
    %dma_wait3A_97 = tpu.memref_reshape %dma_wait3A_96 : memref<320x128xf32, #tpu.memory_space<vmem>> -> memref<8x5120xf32, #tpu.memory_space<vmem>>
    %dma_wait3A_98 = tpu.memref_slice %arg4[%mul3A_89, %mul3A_91] : memref<2048x25600xf32, #tpu.memory_space<hbm>> -> memref<8x5120xf32, #tpu.memory_space<hbm>>
    %dma_wait3A_99 = tpu.memref_slice %arg4[%mul3A_89, %mul3A_91] : memref<2048x25600xf32, #tpu.memory_space<hbm>> -> memref<8x5120xf32, #tpu.memory_space<hbm>>
    %dma_wait3A_100 = arith.constant 0 : i32
    %dma_wait3A_101 = arith.constant 0 : i32
    %dma_wait3A_102 = tpu.memref_slice %arg6[%dma_wait3A_92, %dma_wait3A_100, %dma_wait3A_101] : memref<2x320x128xf32, #tpu.memory_space<vmem>> -> memref<1x320x128xf32, #tpu.memory_space<vmem>>
    %dma_wait3A_103 = tpu.memref_squeeze %dma_wait3A_102 : memref<1x320x128xf32, #tpu.memory_space<vmem>> -> memref<320x128xf32, #tpu.memory_space<vmem>>
    %dma_wait3A_104 = tpu.memref_reshape %dma_wait3A_103 : memref<320x128xf32, #tpu.memory_space<vmem>> -> memref<8x5120xf32, #tpu.memory_space<vmem>>
    tpu.wait_dma2 semaphore(%arg10 : memref<!tpu.dma_semaphore, #tpu.memory_space<semaphore_mem>>) src(%dma_wait3A_104 : memref<8x5120xf32, #tpu.memory_space<vmem>>) dst(%dma_wait3A_99 : memref<8x5120xf32, #tpu.memory_space<hbm>>)
    return
  }
}

#map = affine_map<(d0, d1) -> (0, 0)>
#map1 = affine_map<(d0, d1) -> (0)>
module attributes {stable_mosaic.version = 14 : i64} {
  func.func @gather_kernel(%arg0: i32, %arg1: i32, %arg2: memref<100000x128xf32, #tpu.memory_space<hbm>>, %arg3: memref<409600xi32, #tpu.memory_space<hbm>>, %arg4: memref<2048x25600xf32, #tpu.memory_space<hbm>>, %arg5: memref<12800xi32, #tpu.memory_space<vmem>>, %arg6: memref<2x320x128xf32, #tpu.memory_space<vmem>>, %arg7: memref<!tpu.dma_semaphore, #tpu.memory_space<semaphore_mem>>, %arg8: memref<!tpu.dma_semaphore, #tpu.memory_space<semaphore_mem>>, %arg9: memref<!tpu.dma_semaphore, #tpu.memory_space<semaphore_mem>>, %arg10: memref<!tpu.dma_semaphore, #tpu.memory_space<semaphore_mem>>) attributes {dimension_semantics = [#tpu.dimension_semantics<core_parallel>, #tpu.dimension_semantics<subcore_parallel>], iteration_bounds = array<i64: 2, 16>, scalar_prefetch = 0 : i64, scratch_operands = 6 : i64, tpu.core_type = #tpu.core_type<sc_vector_subcore>, window_params = [{transform_indices = #map}, {transform_indices = #map1}, {transform_indices = #map}]} {
    %mul3A = arith.constant 2 : i32
    %mul3A_0 = arith.muli %arg1, %mul3A : i32
    %add3A = arith.addi %mul3A_0, %arg0 : i32
    %mul3A_1 = arith.constant 40 : i32
    %mul3A_2 = arith.muli %add3A, %mul3A_1 : i32
    %mul3A_3 = arith.constant 320 : i32
    %mul3A_4 = arith.muli %mul3A_2, %mul3A_3 : i32
    %multiple_of3A = tpu.assume_multiple %mul3A_4, 320 : i32
    "tpu.region"() ({
      %run_scoped3A = tpu.sem_alloc : memref<!tpu.dma_semaphore, #tpu.memory_space<semaphore_mem>>
      %dma_start3A_105 = tpu.memref_slice %arg3[%multiple_of3A] : memref<409600xi32, #tpu.memory_space<hbm>> -> memref<12800xi32, #tpu.memory_space<hbm>>
      %dma_start3A_106 = tpu.memref_slice %arg3[%multiple_of3A] : memref<409600xi32, #tpu.memory_space<hbm>> -> memref<12800xi32, #tpu.memory_space<hbm>>
      tpu.enqueue_dma source(%dma_start3A_106 : memref<12800xi32, #tpu.memory_space<hbm>>) target(%arg5 : memref<12800xi32, #tpu.memory_space<vmem>>) target_semaphore(%run_scoped3A : memref<!tpu.dma_semaphore, #tpu.memory_space<semaphore_mem>>)
      %dma_wait3A_107 = tpu.memref_slice %arg3[%multiple_of3A] : memref<409600xi32, #tpu.memory_space<hbm>> -> memref<12800xi32, #tpu.memory_space<hbm>>
      %dma_wait3A_108 = tpu.memref_slice %arg3[%multiple_of3A] : memref<409600xi32, #tpu.memory_space<hbm>> -> memref<12800xi32, #tpu.memory_space<hbm>>
      tpu.wait_dma2 semaphore(%run_scoped3A : memref<!tpu.dma_semaphore, #tpu.memory_space<semaphore_mem>>) src(%dma_wait3A_108 : memref<12800xi32, #tpu.memory_space<hbm>>) dst(%arg5 : memref<12800xi32, #tpu.memory_space<vmem>>)
      tpu.yield
    }) : () -> ()
    %multiple_of3A_5 = arith.constant 0 : i32
    %multiple_of3A_6 = tpu.assume_multiple %multiple_of3A_5, 320 : i32
    %dma_start3A = arith.constant 0 : i32
    %dma_start3A_7 = arith.constant 0 : i32
    %dma_start3A_8 = arith.constant 0 : i32
    %dma_start3A_9 = tpu.memref_slice %arg6[%dma_start3A, %dma_start3A_7, %dma_start3A_8] : memref<2x320x128xf32, #tpu.memory_space<vmem>> -> memref<1x320x128xf32, #tpu.memory_space<vmem>>
    %dma_start3A_10 = tpu.memref_squeeze %dma_start3A_9 : memref<1x320x128xf32, #tpu.memory_space<vmem>> -> memref<320x128xf32, #tpu.memory_space<vmem>>
    %dma_start3A_11 = tpu.memref_slice %arg5[%multiple_of3A_6] : memref<12800xi32, #tpu.memory_space<vmem>> -> memref<320xi32, #tpu.memory_space<vmem>>
    %dma_start3A_12 = arith.constant 0 : i32
    %dma_start3A_13 = arith.constant 0 : i32
    %dma_start3A_14 = tpu.memref_slice %arg2[%dma_start3A_12, %dma_start3A_13] : memref<100000x128xf32, #tpu.memory_space<hbm>> -> memref<100000x128xf32, #tpu.memory_space<hbm>>
    tpu.enqueue_indirect_dma source(%dma_start3A_14 : memref<100000x128xf32, #tpu.memory_space<hbm>>) target(%dma_start3A_10 : memref<320x128xf32, #tpu.memory_space<vmem>>) offsets(%dma_start3A_11 : memref<320xi32, #tpu.memory_space<vmem>>) semaphore(%arg7 : memref<!tpu.dma_semaphore, #tpu.memory_space<semaphore_mem>>)
    %scan3A = arith.constant 0 : i32
    %scan3A_15 = arith.constant 0 : i32
    %scan3A_16 = arith.constant 40 : i32
    %scan3A_17 = arith.addi %scan3A_15, %scan3A_16 : i32
    %scan3A_18 = arith.constant 1 : i32
    scf.for %scan3A_105 = %scan3A_15 to %scan3A_17 step %scan3A_18  : i32 {
      %rem3A_106 = arith.constant 2 : i32
      %rem3A_107 = arith.remsi %scan3A_105, %rem3A_106 : i32
      %eq3A = arith.constant 0 : i32
      %eq3A_108 = arith.cmpi eq, %rem3A_107, %eq3A : i32
      %convert_element_type3A = arith.extui %eq3A_108 : i1 to i32
      %cond3A = arith.constant 0 : i32
      %cond3A_109 = arith.cmpi ne, %convert_element_type3A, %cond3A : i32
      scf.if %cond3A_109 {
        %add3A_117 = arith.constant 1 : i32
        %add3A_118 = arith.addi %scan3A_105, %add3A_117 : i32
        %lt3A = arith.constant 40 : i32
        %lt3A_119 = arith.cmpi slt, %add3A_118, %lt3A : i32
        %convert_element_type3A_120 = arith.extui %lt3A_119 : i1 to i32
        %cond3A_121 = arith.constant 0 : i32
        %cond3A_122 = arith.cmpi ne, %convert_element_type3A_120, %cond3A_121 : i32
        scf.if %cond3A_122 {
          %ge3A = arith.constant 1 : i32
          %ge3A_179 = arith.cmpi sge, %scan3A_105, %ge3A : i32
          %convert_element_type3A_180 = arith.extui %ge3A_179 : i1 to i32
          %cond3A_181 = arith.constant 0 : i32
          %cond3A_182 = arith.cmpi ne, %convert_element_type3A_180, %cond3A_181 : i32
          scf.if %cond3A_182 {
            %add3A_197 = arith.addi %mul3A_2, %scan3A_105 : i32
            %sub3A_198 = arith.constant 1 : i32
            %sub3A_199 = arith.subi %add3A_197, %sub3A_198 : i32
            %jit3A_200 = arith.constant 5 : i32
            %div3A_201 = arith.divsi %sub3A_199, %jit3A_200 : i32
            %sign3A_202 = arith.constant 0 : i32
            %sign3A_203 = arith.cmpi sgt, %sub3A_199, %sign3A_202 : i32
            %sign3A_204 = arith.extui %sign3A_203 : i1 to i32
            %sign3A_205 = arith.constant 0 : i32
            %sign3A_206 = arith.cmpi slt, %sub3A_199, %sign3A_205 : i32
            %sign3A_207 = arith.extui %sign3A_206 : i1 to i32
            %sign3A_208 = arith.subi %sign3A_204, %sign3A_207 : i32
            %sign3A_209 = arith.constant 0 : i32
            %sign3A_210 = arith.cmpi sgt, %jit3A_200, %sign3A_209 : i32
            %sign3A_211 = arith.extui %sign3A_210 : i1 to i32
            %sign3A_212 = arith.constant 0 : i32
            %sign3A_213 = arith.cmpi slt, %jit3A_200, %sign3A_212 : i32
            %sign3A_214 = arith.extui %sign3A_213 : i1 to i32
            %sign3A_215 = arith.subi %sign3A_211, %sign3A_214 : i32
            %ne3A_216 = arith.cmpi ne, %sign3A_208, %sign3A_215 : i32
            %rem3A_217 = arith.remsi %sub3A_199, %jit3A_200 : i32
            %ne3A_218 = arith.constant 0 : i32
            %ne3A_219 = arith.cmpi ne, %rem3A_217, %ne3A_218 : i32
            %and3A_220 = arith.andi %ne3A_216, %ne3A_219 : i1
            %sub3A_221 = arith.constant 1 : i32
            %sub3A_222 = arith.subi %div3A_201, %sub3A_221 : i32
            %select_n3A_223 = arith.select %and3A_220, %sub3A_222, %div3A_201 : i32
            %rem3A_224 = arith.constant 5 : i32
            %rem3A_225 = arith.remsi %sub3A_199, %rem3A_224 : i32
            %mul3A_226 = arith.constant 8 : i32
            %mul3A_227 = arith.muli %select_n3A_223, %mul3A_226 : i32
            %mul3A_228 = arith.constant 5120 : i32
            %mul3A_229 = arith.muli %rem3A_225, %mul3A_228 : i32
            %dma_wait3A_230 = arith.constant 1 : i32
            %dma_wait3A_231 = arith.constant 0 : i32
            %dma_wait3A_232 = arith.constant 0 : i32
            %dma_wait3A_233 = tpu.memref_slice %arg6[%dma_wait3A_230, %dma_wait3A_231, %dma_wait3A_232] : memref<2x320x128xf32, #tpu.memory_space<vmem>> -> memref<1x320x128xf32, #tpu.memory_space<vmem>>
            %dma_wait3A_234 = tpu.memref_squeeze %dma_wait3A_233 : memref<1x320x128xf32, #tpu.memory_space<vmem>> -> memref<320x128xf32, #tpu.memory_space<vmem>>
            %dma_wait3A_235 = tpu.memref_reshape %dma_wait3A_234 : memref<320x128xf32, #tpu.memory_space<vmem>> -> memref<8x5120xf32, #tpu.memory_space<vmem>>
            %dma_wait3A_236 = tpu.memref_slice %arg4[%mul3A_227, %mul3A_229] : memref<2048x25600xf32, #tpu.memory_space<hbm>> -> memref<8x5120xf32, #tpu.memory_space<hbm>>
            %dma_wait3A_237 = tpu.memref_slice %arg4[%mul3A_227, %mul3A_229] : memref<2048x25600xf32, #tpu.memory_space<hbm>> -> memref<8x5120xf32, #tpu.memory_space<hbm>>
            %dma_wait3A_238 = arith.constant 0 : i32
            %dma_wait3A_239 = arith.constant 0 : i32
            %dma_wait3A_240 = tpu.memref_slice %arg6[%dma_wait3A_230, %dma_wait3A_238, %dma_wait3A_239] : memref<2x320x128xf32, #tpu.memory_space<vmem>> -> memref<1x320x128xf32, #tpu.memory_space<vmem>>
            %dma_wait3A_241 = tpu.memref_squeeze %dma_wait3A_240 : memref<1x320x128xf32, #tpu.memory_space<vmem>> -> memref<320x128xf32, #tpu.memory_space<vmem>>
            %dma_wait3A_242 = tpu.memref_reshape %dma_wait3A_241 : memref<320x128xf32, #tpu.memory_space<vmem>> -> memref<8x5120xf32, #tpu.memory_space<vmem>>
            tpu.wait_dma2 semaphore(%arg10 : memref<!tpu.dma_semaphore, #tpu.memory_space<semaphore_mem>>) src(%dma_wait3A_242 : memref<8x5120xf32, #tpu.memory_space<vmem>>) dst(%dma_wait3A_237 : memref<8x5120xf32, #tpu.memory_space<hbm>>)
          } else {
          }
          %add3A_183 = arith.constant 1 : i32
          %add3A_184 = arith.addi %scan3A_105, %add3A_183 : i32
          %mul3A_185 = arith.constant 320 : i32
          %mul3A_186 = arith.muli %add3A_184, %mul3A_185 : i32
          %multiple_of3A_187 = tpu.assume_multiple %mul3A_186, 320 : i32
          %dma_start3A_188 = arith.constant 1 : i32
          %dma_start3A_189 = arith.constant 0 : i32
          %dma_start3A_190 = arith.constant 0 : i32
          %dma_start3A_191 = tpu.memref_slice %arg6[%dma_start3A_188, %dma_start3A_189, %dma_start3A_190] : memref<2x320x128xf32, #tpu.memory_space<vmem>> -> memref<1x320x128xf32, #tpu.memory_space<vmem>>
          %dma_start3A_192 = tpu.memref_squeeze %dma_start3A_191 : memref<1x320x128xf32, #tpu.memory_space<vmem>> -> memref<320x128xf32, #tpu.memory_space<vmem>>
          %dma_start3A_193 = tpu.memref_slice %arg5[%multiple_of3A_187] : memref<12800xi32, #tpu.memory_space<vmem>> -> memref<320xi32, #tpu.memory_space<vmem>>
          %dma_start3A_194 = arith.constant 0 : i32
          %dma_start3A_195 = arith.constant 0 : i32
          %dma_start3A_196 = tpu.memref_slice %arg2[%dma_start3A_194, %dma_start3A_195] : memref<100000x128xf32, #tpu.memory_space<hbm>> -> memref<100000x128xf32, #tpu.memory_space<hbm>>
          tpu.enqueue_indirect_dma source(%dma_start3A_196 : memref<100000x128xf32, #tpu.memory_space<hbm>>) target(%dma_start3A_192 : memref<320x128xf32, #tpu.memory_space<vmem>>) offsets(%dma_start3A_193 : memref<320xi32, #tpu.memory_space<vmem>>) semaphore(%arg8 : memref<!tpu.dma_semaphore, #tpu.memory_space<semaphore_mem>>)
        } else {
        }
        %mul3A_123 = arith.constant 320 : i32
        %mul3A_124 = arith.muli %scan3A_105, %mul3A_123 : i32
        %multiple_of3A_125 = tpu.assume_multiple %mul3A_124, 320 : i32
        %dma_wait3A_126 = arith.constant 0 : i32
        %dma_wait3A_127 = arith.constant 0 : i32
        %dma_wait3A_128 = arith.constant 0 : i32
        %dma_wait3A_129 = tpu.memref_slice %arg6[%dma_wait3A_126, %dma_wait3A_127, %dma_wait3A_128] : memref<2x320x128xf32, #tpu.memory_space<vmem>> -> memref<1x320x128xf32, #tpu.memory_space<vmem>>
        %dma_wait3A_130 = tpu.memref_squeeze %dma_wait3A_129 : memref<1x320x128xf32, #tpu.memory_space<vmem>> -> memref<320x128xf32, #tpu.memory_space<vmem>>
        %dma_wait3A_131 = tpu.memref_slice %arg5[%multiple_of3A_125] : memref<12800xi32, #tpu.memory_space<vmem>> -> memref<320xi32, #tpu.memory_space<vmem>>
        %dma_wait3A_132 = arith.constant 0 : i32
        %dma_wait3A_133 = arith.constant 0 : i32
        %dma_wait3A_134 = tpu.memref_slice %arg2[%dma_wait3A_132, %dma_wait3A_133] : memref<100000x128xf32, #tpu.memory_space<hbm>> -> memref<100000x128xf32, #tpu.memory_space<hbm>>
        tpu.wait_indirect_dma semaphore(%arg7 : memref<!tpu.dma_semaphore, #tpu.memory_space<semaphore_mem>>) src(%dma_wait3A_134 : memref<100000x128xf32, #tpu.memory_space<hbm>>) dst(%dma_wait3A_130 : memref<320x128xf32, #tpu.memory_space<vmem>>)
        %add3A_135 = arith.addi %mul3A_2, %scan3A_105 : i32
        %jit3A_136 = arith.constant 5 : i32
        %div3A_137 = arith.divsi %add3A_135, %jit3A_136 : i32
        %sign3A_138 = arith.constant 0 : i32
        %sign3A_139 = arith.cmpi sgt, %add3A_135, %sign3A_138 : i32
        %sign3A_140 = arith.extui %sign3A_139 : i1 to i32
        %sign3A_141 = arith.constant 0 : i32
        %sign3A_142 = arith.cmpi slt, %add3A_135, %sign3A_141 : i32
        %sign3A_143 = arith.extui %sign3A_142 : i1 to i32
        %sign3A_144 = arith.subi %sign3A_140, %sign3A_143 : i32
        %sign3A_145 = arith.constant 0 : i32
        %sign3A_146 = arith.cmpi sgt, %jit3A_136, %sign3A_145 : i32
        %sign3A_147 = arith.extui %sign3A_146 : i1 to i32
        %sign3A_148 = arith.constant 0 : i32
        %sign3A_149 = arith.cmpi slt, %jit3A_136, %sign3A_148 : i32
        %sign3A_150 = arith.extui %sign3A_149 : i1 to i32
        %sign3A_151 = arith.subi %sign3A_147, %sign3A_150 : i32
        %ne3A_152 = arith.cmpi ne, %sign3A_144, %sign3A_151 : i32
        %rem3A_153 = arith.remsi %add3A_135, %jit3A_136 : i32
        %ne3A_154 = arith.constant 0 : i32
        %ne3A_155 = arith.cmpi ne, %rem3A_153, %ne3A_154 : i32
        %and3A_156 = arith.andi %ne3A_152, %ne3A_155 : i1
        %sub3A_157 = arith.constant 1 : i32
        %sub3A_158 = arith.subi %div3A_137, %sub3A_157 : i32
        %select_n3A_159 = arith.select %and3A_156, %sub3A_158, %div3A_137 : i32
        %rem3A_160 = arith.constant 5 : i32
        %rem3A_161 = arith.remsi %add3A_135, %rem3A_160 : i32
        %mul3A_162 = arith.constant 8 : i32
        %mul3A_163 = arith.muli %select_n3A_159, %mul3A_162 : i32
        %mul3A_164 = arith.constant 5120 : i32
        %mul3A_165 = arith.muli %rem3A_161, %mul3A_164 : i32
        %dma_start3A_166 = arith.constant 0 : i32
        %dma_start3A_167 = arith.constant 0 : i32
        %dma_start3A_168 = arith.constant 0 : i32
        %dma_start3A_169 = tpu.memref_slice %arg6[%dma_start3A_166, %dma_start3A_167, %dma_start3A_168] : memref<2x320x128xf32, #tpu.memory_space<vmem>> -> memref<1x320x128xf32, #tpu.memory_space<vmem>>
        %dma_start3A_170 = tpu.memref_squeeze %dma_start3A_169 : memref<1x320x128xf32, #tpu.memory_space<vmem>> -> memref<320x128xf32, #tpu.memory_space<vmem>>
        %dma_start3A_171 = tpu.memref_reshape %dma_start3A_170 : memref<320x128xf32, #tpu.memory_space<vmem>> -> memref<8x5120xf32, #tpu.memory_space<vmem>>
        %dma_start3A_172 = tpu.memref_slice %arg4[%mul3A_163, %mul3A_165] : memref<2048x25600xf32, #tpu.memory_space<hbm>> -> memref<8x5120xf32, #tpu.memory_space<hbm>>
        %dma_start3A_173 = tpu.memref_slice %arg4[%mul3A_163, %mul3A_165] : memref<2048x25600xf32, #tpu.memory_space<hbm>> -> memref<8x5120xf32, #tpu.memory_space<hbm>>
        %dma_start3A_174 = arith.constant 0 : i32
        %dma_start3A_175 = arith.constant 0 : i32
        %dma_start3A_176 = tpu.memref_slice %arg6[%dma_start3A_166, %dma_start3A_174, %dma_start3A_175] : memref<2x320x128xf32, #tpu.memory_space<vmem>> -> memref<1x320x128xf32, #tpu.memory_space<vmem>>
        %dma_start3A_177 = tpu.memref_squeeze %dma_start3A_176 : memref<1x320x128xf32, #tpu.memory_space<vmem>> -> memref<320x128xf32, #tpu.memory_space<vmem>>
        %dma_start3A_178 = tpu.memref_reshape %dma_start3A_177 : memref<320x128xf32, #tpu.memory_space<vmem>> -> memref<8x5120xf32, #tpu.memory_space<vmem>>
        tpu.enqueue_dma source(%dma_start3A_178 : memref<8x5120xf32, #tpu.memory_space<vmem>>) target(%dma_start3A_173 : memref<8x5120xf32, #tpu.memory_space<hbm>>) target_semaphore(%arg9 : memref<!tpu.dma_semaphore, #tpu.memory_space<semaphore_mem>>)
      } else {
      }
      %rem3A_110 = arith.constant 2 : i32
      %rem3A_111 = arith.remsi %scan3A_105, %rem3A_110 : i32
      %eq3A_112 = arith.constant 1 : i32
      %eq3A_113 = arith.cmpi eq, %rem3A_111, %eq3A_112 : i32
      %convert_element_type3A_114 = arith.extui %eq3A_113 : i1 to i32
      %cond3A_115 = arith.constant 0 : i32
      %cond3A_116 = arith.cmpi ne, %convert_element_type3A_114, %cond3A_115 : i32
      scf.if %cond3A_116 {
        %add3A_117 = arith.constant 1 : i32
        %add3A_118 = arith.addi %scan3A_105, %add3A_117 : i32
        %lt3A = arith.constant 40 : i32
        %lt3A_119 = arith.cmpi slt, %add3A_118, %lt3A : i32
        %convert_element_type3A_120 = arith.extui %lt3A_119 : i1 to i32
        %cond3A_121 = arith.constant 0 : i32
        %cond3A_122 = arith.cmpi ne, %convert_element_type3A_120, %cond3A_121 : i32
        scf.if %cond3A_122 {
          %ge3A = arith.constant 1 : i32
          %ge3A_179 = arith.cmpi sge, %scan3A_105, %ge3A : i32
          %convert_element_type3A_180 = arith.extui %ge3A_179 : i1 to i32
          %cond3A_181 = arith.constant 0 : i32
          %cond3A_182 = arith.cmpi ne, %convert_element_type3A_180, %cond3A_181 : i32
          scf.if %cond3A_182 {
            %add3A_197 = arith.addi %mul3A_2, %scan3A_105 : i32
            %sub3A_198 = arith.constant 1 : i32
            %sub3A_199 = arith.subi %add3A_197, %sub3A_198 : i32
            %jit3A_200 = arith.constant 5 : i32
            %div3A_201 = arith.divsi %sub3A_199, %jit3A_200 : i32
            %sign3A_202 = arith.constant 0 : i32
            %sign3A_203 = arith.cmpi sgt, %sub3A_199, %sign3A_202 : i32
            %sign3A_204 = arith.extui %sign3A_203 : i1 to i32
            %sign3A_205 = arith.constant 0 : i32
            %sign3A_206 = arith.cmpi slt, %sub3A_199, %sign3A_205 : i32
            %sign3A_207 = arith.extui %sign3A_206 : i1 to i32
            %sign3A_208 = arith.subi %sign3A_204, %sign3A_207 : i32
            %sign3A_209 = arith.constant 0 : i32
            %sign3A_210 = arith.cmpi sgt, %jit3A_200, %sign3A_209 : i32
            %sign3A_211 = arith.extui %sign3A_210 : i1 to i32
            %sign3A_212 = arith.constant 0 : i32
            %sign3A_213 = arith.cmpi slt, %jit3A_200, %sign3A_212 : i32
            %sign3A_214 = arith.extui %sign3A_213 : i1 to i32
            %sign3A_215 = arith.subi %sign3A_211, %sign3A_214 : i32
            %ne3A_216 = arith.cmpi ne, %sign3A_208, %sign3A_215 : i32
            %rem3A_217 = arith.remsi %sub3A_199, %jit3A_200 : i32
            %ne3A_218 = arith.constant 0 : i32
            %ne3A_219 = arith.cmpi ne, %rem3A_217, %ne3A_218 : i32
            %and3A_220 = arith.andi %ne3A_216, %ne3A_219 : i1
            %sub3A_221 = arith.constant 1 : i32
            %sub3A_222 = arith.subi %div3A_201, %sub3A_221 : i32
            %select_n3A_223 = arith.select %and3A_220, %sub3A_222, %div3A_201 : i32
            %rem3A_224 = arith.constant 5 : i32
            %rem3A_225 = arith.remsi %sub3A_199, %rem3A_224 : i32
            %mul3A_226 = arith.constant 8 : i32
            %mul3A_227 = arith.muli %select_n3A_223, %mul3A_226 : i32
            %mul3A_228 = arith.constant 5120 : i32
            %mul3A_229 = arith.muli %rem3A_225, %mul3A_228 : i32
            %dma_wait3A_230 = arith.constant 0 : i32
            %dma_wait3A_231 = arith.constant 0 : i32
            %dma_wait3A_232 = arith.constant 0 : i32
            %dma_wait3A_233 = tpu.memref_slice %arg6[%dma_wait3A_230, %dma_wait3A_231, %dma_wait3A_232] : memref<2x320x128xf32, #tpu.memory_space<vmem>> -> memref<1x320x128xf32, #tpu.memory_space<vmem>>
            %dma_wait3A_234 = tpu.memref_squeeze %dma_wait3A_233 : memref<1x320x128xf32, #tpu.memory_space<vmem>> -> memref<320x128xf32, #tpu.memory_space<vmem>>
            %dma_wait3A_235 = tpu.memref_reshape %dma_wait3A_234 : memref<320x128xf32, #tpu.memory_space<vmem>> -> memref<8x5120xf32, #tpu.memory_space<vmem>>
            %dma_wait3A_236 = tpu.memref_slice %arg4[%mul3A_227, %mul3A_229] : memref<2048x25600xf32, #tpu.memory_space<hbm>> -> memref<8x5120xf32, #tpu.memory_space<hbm>>
            %dma_wait3A_237 = tpu.memref_slice %arg4[%mul3A_227, %mul3A_229] : memref<2048x25600xf32, #tpu.memory_space<hbm>> -> memref<8x5120xf32, #tpu.memory_space<hbm>>
            %dma_wait3A_238 = arith.constant 0 : i32
            %dma_wait3A_239 = arith.constant 0 : i32
            %dma_wait3A_240 = tpu.memref_slice %arg6[%dma_wait3A_230, %dma_wait3A_238, %dma_wait3A_239] : memref<2x320x128xf32, #tpu.memory_space<vmem>> -> memref<1x320x128xf32, #tpu.memory_space<vmem>>
            %dma_wait3A_241 = tpu.memref_squeeze %dma_wait3A_240 : memref<1x320x128xf32, #tpu.memory_space<vmem>> -> memref<320x128xf32, #tpu.memory_space<vmem>>
            %dma_wait3A_242 = tpu.memref_reshape %dma_wait3A_241 : memref<320x128xf32, #tpu.memory_space<vmem>> -> memref<8x5120xf32, #tpu.memory_space<vmem>>
            tpu.wait_dma2 semaphore(%arg9 : memref<!tpu.dma_semaphore, #tpu.memory_space<semaphore_mem>>) src(%dma_wait3A_242 : memref<8x5120xf32, #tpu.memory_space<vmem>>) dst(%dma_wait3A_237 : memref<8x5120xf32, #tpu.memory_space<hbm>>)
          } else {
          }
          %add3A_183 = arith.constant 1 : i32
          %add3A_184 = arith.addi %scan3A_105, %add3A_183 : i32
          %mul3A_185 = arith.constant 320 : i32
          %mul3A_186 = arith.muli %add3A_184, %mul3A_185 : i32
          %multiple_of3A_187 = tpu.assume_multiple %mul3A_186, 320 : i32
          %dma_start3A_188 = arith.constant 0 : i32
          %dma_start3A_189 = arith.constant 0 : i32
          %dma_start3A_190 = arith.constant 0 : i32
          %dma_start3A_191 = tpu.memref_slice %arg6[%dma_start3A_188, %dma_start3A_189, %dma_start3A_190] : memref<2x320x128xf32, #tpu.memory_space<vmem>> -> memref<1x320x128xf32, #tpu.memory_space<vmem>>
          %dma_start3A_192 = tpu.memref_squeeze %dma_start3A_191 : memref<1x320x128xf32, #tpu.memory_space<vmem>> -> memref<320x128xf32, #tpu.memory_space<vmem>>
          %dma_start3A_193 = tpu.memref_slice %arg5[%multiple_of3A_187] : memref<12800xi32, #tpu.memory_space<vmem>> -> memref<320xi32, #tpu.memory_space<vmem>>
          %dma_start3A_194 = arith.constant 0 : i32
          %dma_start3A_195 = arith.constant 0 : i32
          %dma_start3A_196 = tpu.memref_slice %arg2[%dma_start3A_194, %dma_start3A_195] : memref<100000x128xf32, #tpu.memory_space<hbm>> -> memref<100000x128xf32, #tpu.memory_space<hbm>>
          tpu.enqueue_indirect_dma source(%dma_start3A_196 : memref<100000x128xf32, #tpu.memory_space<hbm>>) target(%dma_start3A_192 : memref<320x128xf32, #tpu.memory_space<vmem>>) offsets(%dma_start3A_193 : memref<320xi32, #tpu.memory_space<vmem>>) semaphore(%arg7 : memref<!tpu.dma_semaphore, #tpu.memory_space<semaphore_mem>>)
        } else {
        }
        %mul3A_123 = arith.constant 320 : i32
        %mul3A_124 = arith.muli %scan3A_105, %mul3A_123 : i32
        %multiple_of3A_125 = tpu.assume_multiple %mul3A_124, 320 : i32
        %dma_wait3A_126 = arith.constant 1 : i32
        %dma_wait3A_127 = arith.constant 0 : i32
        %dma_wait3A_128 = arith.constant 0 : i32
        %dma_wait3A_129 = tpu.memref_slice %arg6[%dma_wait3A_126, %dma_wait3A_127, %dma_wait3A_128] : memref<2x320x128xf32, #tpu.memory_space<vmem>> -> memref<1x320x128xf32, #tpu.memory_space<vmem>>
        %dma_wait3A_130 = tpu.memref_squeeze %dma_wait3A_129 : memref<1x320x128xf32, #tpu.memory_space<vmem>> -> memref<320x128xf32, #tpu.memory_space<vmem>>
        %dma_wait3A_131 = tpu.memref_slice %arg5[%multiple_of3A_125] : memref<12800xi32, #tpu.memory_space<vmem>> -> memref<320xi32, #tpu.memory_space<vmem>>
        %dma_wait3A_132 = arith.constant 0 : i32
        %dma_wait3A_133 = arith.constant 0 : i32
        %dma_wait3A_134 = tpu.memref_slice %arg2[%dma_wait3A_132, %dma_wait3A_133] : memref<100000x128xf32, #tpu.memory_space<hbm>> -> memref<100000x128xf32, #tpu.memory_space<hbm>>
        tpu.wait_indirect_dma semaphore(%arg8 : memref<!tpu.dma_semaphore, #tpu.memory_space<semaphore_mem>>) src(%dma_wait3A_134 : memref<100000x128xf32, #tpu.memory_space<hbm>>) dst(%dma_wait3A_130 : memref<320x128xf32, #tpu.memory_space<vmem>>)
        %add3A_135 = arith.addi %mul3A_2, %scan3A_105 : i32
        %jit3A_136 = arith.constant 5 : i32
        %div3A_137 = arith.divsi %add3A_135, %jit3A_136 : i32
        %sign3A_138 = arith.constant 0 : i32
        %sign3A_139 = arith.cmpi sgt, %add3A_135, %sign3A_138 : i32
        %sign3A_140 = arith.extui %sign3A_139 : i1 to i32
        %sign3A_141 = arith.constant 0 : i32
        %sign3A_142 = arith.cmpi slt, %add3A_135, %sign3A_141 : i32
        %sign3A_143 = arith.extui %sign3A_142 : i1 to i32
        %sign3A_144 = arith.subi %sign3A_140, %sign3A_143 : i32
        %sign3A_145 = arith.constant 0 : i32
        %sign3A_146 = arith.cmpi sgt, %jit3A_136, %sign3A_145 : i32
        %sign3A_147 = arith.extui %sign3A_146 : i1 to i32
        %sign3A_148 = arith.constant 0 : i32
        %sign3A_149 = arith.cmpi slt, %jit3A_136, %sign3A_148 : i32
        %sign3A_150 = arith.extui %sign3A_149 : i1 to i32
        %sign3A_151 = arith.subi %sign3A_147, %sign3A_150 : i32
        %ne3A_152 = arith.cmpi ne, %sign3A_144, %sign3A_151 : i32
        %rem3A_153 = arith.remsi %add3A_135, %jit3A_136 : i32
        %ne3A_154 = arith.constant 0 : i32
        %ne3A_155 = arith.cmpi ne, %rem3A_153, %ne3A_154 : i32
        %and3A_156 = arith.andi %ne3A_152, %ne3A_155 : i1
        %sub3A_157 = arith.constant 1 : i32
        %sub3A_158 = arith.subi %div3A_137, %sub3A_157 : i32
        %select_n3A_159 = arith.select %and3A_156, %sub3A_158, %div3A_137 : i32
        %rem3A_160 = arith.constant 5 : i32
        %rem3A_161 = arith.remsi %add3A_135, %rem3A_160 : i32
        %mul3A_162 = arith.constant 8 : i32
        %mul3A_163 = arith.muli %select_n3A_159, %mul3A_162 : i32
        %mul3A_164 = arith.constant 5120 : i32
        %mul3A_165 = arith.muli %rem3A_161, %mul3A_164 : i32
        %dma_start3A_166 = arith.constant 1 : i32
        %dma_start3A_167 = arith.constant 0 : i32
        %dma_start3A_168 = arith.constant 0 : i32
        %dma_start3A_169 = tpu.memref_slice %arg6[%dma_start3A_166, %dma_start3A_167, %dma_start3A_168] : memref<2x320x128xf32, #tpu.memory_space<vmem>> -> memref<1x320x128xf32, #tpu.memory_space<vmem>>
        %dma_start3A_170 = tpu.memref_squeeze %dma_start3A_169 : memref<1x320x128xf32, #tpu.memory_space<vmem>> -> memref<320x128xf32, #tpu.memory_space<vmem>>
        %dma_start3A_171 = tpu.memref_reshape %dma_start3A_170 : memref<320x128xf32, #tpu.memory_space<vmem>> -> memref<8x5120xf32, #tpu.memory_space<vmem>>
        %dma_start3A_172 = tpu.memref_slice %arg4[%mul3A_163, %mul3A_165] : memref<2048x25600xf32, #tpu.memory_space<hbm>> -> memref<8x5120xf32, #tpu.memory_space<hbm>>
        %dma_start3A_173 = tpu.memref_slice %arg4[%mul3A_163, %mul3A_165] : memref<2048x25600xf32, #tpu.memory_space<hbm>> -> memref<8x5120xf32, #tpu.memory_space<hbm>>
        %dma_start3A_174 = arith.constant 0 : i32
        %dma_start3A_175 = arith.constant 0 : i32
        %dma_start3A_176 = tpu.memref_slice %arg6[%dma_start3A_166, %dma_start3A_174, %dma_start3A_175] : memref<2x320x128xf32, #tpu.memory_space<vmem>> -> memref<1x320x128xf32, #tpu.memory_space<vmem>>
        %dma_start3A_177 = tpu.memref_squeeze %dma_start3A_176 : memref<1x320x128xf32, #tpu.memory_space<vmem>> -> memref<320x128xf32, #tpu.memory_space<vmem>>
        %dma_start3A_178 = tpu.memref_reshape %dma_start3A_177 : memref<320x128xf32, #tpu.memory_space<vmem>> -> memref<8x5120xf32, #tpu.memory_space<vmem>>
        tpu.enqueue_dma source(%dma_start3A_178 : memref<8x5120xf32, #tpu.memory_space<vmem>>) target(%dma_start3A_173 : memref<8x5120xf32, #tpu.memory_space<hbm>>) target_semaphore(%arg10 : memref<!tpu.dma_semaphore, #tpu.memory_space<semaphore_mem>>)
      } else {
      }
    }
    %scan3A_19 = arith.constant 40 : i32
    %add3A_20 = arith.constant 40 : i32
    %add3A_21 = arith.addi %mul3A_2, %add3A_20 : i32
    %sub3A = arith.constant 2 : i32
    %sub3A_22 = arith.subi %add3A_21, %sub3A : i32
    %jit3A = arith.constant 5 : i32
    %div3A = arith.divsi %sub3A_22, %jit3A : i32
    %sign3A = arith.constant 0 : i32
    %sign3A_23 = arith.cmpi sgt, %sub3A_22, %sign3A : i32
    %sign3A_24 = arith.extui %sign3A_23 : i1 to i32
    %sign3A_25 = arith.constant 0 : i32
    %sign3A_26 = arith.cmpi slt, %sub3A_22, %sign3A_25 : i32
    %sign3A_27 = arith.extui %sign3A_26 : i1 to i32
    %sign3A_28 = arith.subi %sign3A_24, %sign3A_27 : i32
    %sign3A_29 = arith.constant 0 : i32
    %sign3A_30 = arith.cmpi sgt, %jit3A, %sign3A_29 : i32
    %sign3A_31 = arith.extui %sign3A_30 : i1 to i32
    %sign3A_32 = arith.constant 0 : i32
    %sign3A_33 = arith.cmpi slt, %jit3A, %sign3A_32 : i32
    %sign3A_34 = arith.extui %sign3A_33 : i1 to i32
    %sign3A_35 = arith.subi %sign3A_31, %sign3A_34 : i32
    %ne3A = arith.cmpi ne, %sign3A_28, %sign3A_35 : i32
    %rem3A = arith.remsi %sub3A_22, %jit3A : i32
    %ne3A_36 = arith.constant 0 : i32
    %ne3A_37 = arith.cmpi ne, %rem3A, %ne3A_36 : i32
    %and3A = arith.andi %ne3A, %ne3A_37 : i1
    %sub3A_38 = arith.constant 1 : i32
    %sub3A_39 = arith.subi %div3A, %sub3A_38 : i32
    %select_n3A = arith.select %and3A, %sub3A_39, %div3A : i32
    %rem3A_40 = arith.constant 5 : i32
    %rem3A_41 = arith.remsi %sub3A_22, %rem3A_40 : i32
    %mul3A_42 = arith.constant 8 : i32
    %mul3A_43 = arith.muli %select_n3A, %mul3A_42 : i32
    %mul3A_44 = arith.constant 5120 : i32
    %mul3A_45 = arith.muli %rem3A_41, %mul3A_44 : i32
    %dma_wait3A = arith.constant 0 : i32
    %dma_wait3A_46 = arith.constant 0 : i32
    %dma_wait3A_47 = arith.constant 0 : i32
    %dma_wait3A_48 = tpu.memref_slice %arg6[%dma_wait3A, %dma_wait3A_46, %dma_wait3A_47] : memref<2x320x128xf32, #tpu.memory_space<vmem>> -> memref<1x320x128xf32, #tpu.memory_space<vmem>>
    %dma_wait3A_49 = tpu.memref_squeeze %dma_wait3A_48 : memref<1x320x128xf32, #tpu.memory_space<vmem>> -> memref<320x128xf32, #tpu.memory_space<vmem>>
    %dma_wait3A_50 = tpu.memref_reshape %dma_wait3A_49 : memref<320x128xf32, #tpu.memory_space<vmem>> -> memref<8x5120xf32, #tpu.memory_space<vmem>>
    %dma_wait3A_51 = tpu.memref_slice %arg4[%mul3A_43, %mul3A_45] : memref<2048x25600xf32, #tpu.memory_space<hbm>> -> memref<8x5120xf32, #tpu.memory_space<hbm>>
    %dma_wait3A_52 = tpu.memref_slice %arg4[%mul3A_43, %mul3A_45] : memref<2048x25600xf32, #tpu.memory_space<hbm>> -> memref<8x5120xf32, #tpu.memory_space<hbm>>
    %dma_wait3A_53 = arith.constant 0 : i32
    %dma_wait3A_54 = arith.constant 0 : i32
    %dma_wait3A_55 = tpu.memref_slice %arg6[%dma_wait3A, %dma_wait3A_53, %dma_wait3A_54] : memref<2x320x128xf32, #tpu.memory_space<vmem>> -> memref<1x320x128xf32, #tpu.memory_space<vmem>>
    %dma_wait3A_56 = tpu.memref_squeeze %dma_wait3A_55 : memref<1x320x128xf32, #tpu.memory_space<vmem>> -> memref<320x128xf32, #tpu.memory_space<vmem>>
    %dma_wait3A_57 = tpu.memref_reshape %dma_wait3A_56 : memref<320x128xf32, #tpu.memory_space<vmem>> -> memref<8x5120xf32, #tpu.memory_space<vmem>>
    tpu.wait_dma2 semaphore(%arg9 : memref<!tpu.dma_semaphore, #tpu.memory_space<semaphore_mem>>) src(%dma_wait3A_57 : memref<8x5120xf32, #tpu.memory_space<vmem>>) dst(%dma_wait3A_52 : memref<8x5120xf32, #tpu.memory_space<hbm>>)
    %add3A_58 = arith.constant 40 : i32
    %add3A_59 = arith.addi %mul3A_2, %add3A_58 : i32
    %sub3A_60 = arith.constant 1 : i32
    %sub3A_61 = arith.subi %add3A_59, %sub3A_60 : i32
    %jit3A_62 = arith.constant 5 : i32
    %div3A_63 = arith.divsi %sub3A_61, %jit3A_62 : i32
    %sign3A_64 = arith.constant 0 : i32
    %sign3A_65 = arith.cmpi sgt, %sub3A_61, %sign3A_64 : i32
    %sign3A_66 = arith.extui %sign3A_65 : i1 to i32
    %sign3A_67 = arith.constant 0 : i32
    %sign3A_68 = arith.cmpi slt, %sub3A_61, %sign3A_67 : i32
    %sign3A_69 = arith.extui %sign3A_68 : i1 to i32
    %sign3A_70 = arith.subi %sign3A_66, %sign3A_69 : i32
    %sign3A_71 = arith.constant 0 : i32
    %sign3A_72 = arith.cmpi sgt, %jit3A_62, %sign3A_71 : i32
    %sign3A_73 = arith.extui %sign3A_72 : i1 to i32
    %sign3A_74 = arith.constant 0 : i32
    %sign3A_75 = arith.cmpi slt, %jit3A_62, %sign3A_74 : i32
    %sign3A_76 = arith.extui %sign3A_75 : i1 to i32
    %sign3A_77 = arith.subi %sign3A_73, %sign3A_76 : i32
    %ne3A_78 = arith.cmpi ne, %sign3A_70, %sign3A_77 : i32
    %rem3A_79 = arith.remsi %sub3A_61, %jit3A_62 : i32
    %ne3A_80 = arith.constant 0 : i32
    %ne3A_81 = arith.cmpi ne, %rem3A_79, %ne3A_80 : i32
    %and3A_82 = arith.andi %ne3A_78, %ne3A_81 : i1
    %sub3A_83 = arith.constant 1 : i32
    %sub3A_84 = arith.subi %div3A_63, %sub3A_83 : i32
    %select_n3A_85 = arith.select %and3A_82, %sub3A_84, %div3A_63 : i32
    %rem3A_86 = arith.constant 5 : i32
    %rem3A_87 = arith.remsi %sub3A_61, %rem3A_86 : i32
    %mul3A_88 = arith.constant 8 : i32
    %mul3A_89 = arith.muli %select_n3A_85, %mul3A_88 : i32
    %mul3A_90 = arith.constant 5120 : i32
    %mul3A_91 = arith.muli %rem3A_87, %mul3A_90 : i32
    %dma_wait3A_92 = arith.constant 1 : i32
    %dma_wait3A_93 = arith.constant 0 : i32
    %dma_wait3A_94 = arith.constant 0 : i32
    %dma_wait3A_95 = tpu.memref_slice %arg6[%dma_wait3A_92, %dma_wait3A_93, %dma_wait3A_94] : memref<2x320x128xf32, #tpu.memory_space<vmem>> -> memref<1x320x128xf32, #tpu.memory_space<vmem>>
    %dma_wait3A_96 = tpu.memref_squeeze %dma_wait3A_95 : memref<1x320x128xf32, #tpu.memory_space<vmem>> -> memref<320x128xf32, #tpu.memory_space<vmem>>
    %dma_wait3A_97 = tpu.memref_reshape %dma_wait3A_96 : memref<320x128xf32, #tpu.memory_space<vmem>> -> memref<8x5120xf32, #tpu.memory_space<vmem>>
    %dma_wait3A_98 = tpu.memref_slice %arg4[%mul3A_89, %mul3A_91] : memref<2048x25600xf32, #tpu.memory_space<hbm>> -> memref<8x5120xf32, #tpu.memory_space<hbm>>
    %dma_wait3A_99 = tpu.memref_slice %arg4[%mul3A_89, %mul3A_91] : memref<2048x25600xf32, #tpu.memory_space<hbm>> -> memref<8x5120xf32, #tpu.memory_space<hbm>>
    %dma_wait3A_100 = arith.constant 0 : i32
    %dma_wait3A_101 = arith.constant 0 : i32
    %dma_wait3A_102 = tpu.memref_slice %arg6[%dma_wait3A_92, %dma_wait3A_100, %dma_wait3A_101] : memref<2x320x128xf32, #tpu.memory_space<vmem>> -> memref<1x320x128xf32, #tpu.memory_space<vmem>>
    %dma_wait3A_103 = tpu.memref_squeeze %dma_wait3A_102 : memref<1x320x128xf32, #tpu.memory_space<vmem>> -> memref<320x128xf32, #tpu.memory_space<vmem>>
    %dma_wait3A_104 = tpu.memref_reshape %dma_wait3A_103 : memref<320x128xf32, #tpu.memory_space<vmem>> -> memref<8x5120xf32, #tpu.memory_space<vmem>>
    tpu.wait_dma2 semaphore(%arg10 : memref<!tpu.dma_semaphore, #tpu.memory_space<semaphore_mem>>) src(%dma_wait3A_104 : memref<8x5120xf32, #tpu.memory_space<vmem>>) dst(%dma_wait3A_99 : memref<8x5120xf32, #tpu.memory_space<hbm>>)
    return
  }
}

module attributes {stable_mosaic.version = 14 : i64} {
  func.func @body(%arg0: i32, %arg1: memref<128x25600xf32, #tpu.memory_space<vmem>>, %arg2: memref<64x25600xf32, #tpu.memory_space<vmem>>, %arg3: memref<1x64xf32, #tpu.memory_space<vmem>>, %arg4: memref<1x64xf32, #tpu.memory_space<vmem>>, %arg5: memref<1x1xf32, #tpu.memory_space<vmem>>, %arg6: memref<128x1xf32, #tpu.memory_space<vmem>>) attributes {dimension_semantics = [#tpu.dimension_semantics<arbitrary>], iteration_bounds = array<i64: 16>, scalar_prefetch = 0 : i64, scratch_operands = 0 : i64, tpu.core_type = #tpu.core_type<tc>, window_params = [{transform_indices = @transform_0, window_bounds = array<i64: 128, 25600>}, {pipeline_mode = #tpu.pipeline_mode<synchronous>, transform_indices = @transform_1, window_bounds = array<i64: 64, 25600>}, {pipeline_mode = #tpu.pipeline_mode<synchronous>, transform_indices = @transform_2, window_bounds = array<i64: 1, 64>}, {pipeline_mode = #tpu.pipeline_mode<synchronous>, transform_indices = @transform_3, window_bounds = array<i64: 1, 64>}, {pipeline_mode = #tpu.pipeline_mode<synchronous>, transform_indices = @transform_4, window_bounds = array<i64: 1, 1>}, {transform_indices = @transform_5, window_bounds = array<i64: 128, 1>}]} {
    %get3A = arith.constant 0 : index
    %get3A_0 = arith.constant 0 : index
    %get3A_1 = vector.load %arg1[%get3A, %get3A_0] : memref<128x25600xf32, #tpu.memory_space<vmem>>, vector<128x25600xf32>
    %get3A_2 = arith.constant 0 : index
    %get3A_3 = arith.constant 0 : index
    %get3A_4 = vector.load %arg2[%get3A_2, %get3A_3] : memref<64x25600xf32, #tpu.memory_space<vmem>>, vector<64x25600xf32>
    %dot_general3A = arith.constant dense<0.000000e+00> : vector<128x64xf32>
    %dot_general3A_5 = tpu.matmul %get3A_1, %get3A_4, %dot_general3A {dimension_numbers = #tpu.dot_dimension_numbers<[1], [1], [0], [0], [0, 0, 1, 0], [], []>, transpose_lhs_hint = false} : vector<128x25600xf32>, vector<64x25600xf32>, vector<128x64xf32> -> vector<128x64xf32>
    %get3A_6 = arith.constant 0 : index
    %get3A_7 = arith.constant 0 : index
    %get3A_8 = vector.load %arg3[%get3A_6, %get3A_7] : memref<1x64xf32, #tpu.memory_space<vmem>>, vector<1x64xf32>
    %add3A = vector.broadcast %get3A_8 : vector<1x64xf32> to vector<128x64xf32>
    %add3A_9 = arith.addf %dot_general3A_5, %add3A : vector<128x64xf32>
    %max3A = arith.constant 0.000000e+00 : f32
    %max3A_10 = vector.broadcast %max3A : f32 to vector<128x64xf32>
    %max3A_11 = arith.maximumf %add3A_9, %max3A_10 : vector<128x64xf32>
    %get3A_12 = arith.constant 0 : index
    %get3A_13 = arith.constant 0 : index
    %get3A_14 = vector.load %arg4[%get3A_12, %get3A_13] : memref<1x64xf32, #tpu.memory_space<vmem>>, vector<1x64xf32>
    %mul3A = vector.broadcast %get3A_14 : vector<1x64xf32> to vector<128x64xf32>
    %mul3A_15 = arith.mulf %max3A_11, %mul3A : vector<128x64xf32>
    %reduce_sum3A = arith.constant dense<0.000000e+00> : vector<128xf32>
    %reduce_sum3A_16 = vector.multi_reduction <add>, %mul3A_15, %reduce_sum3A [1] : vector<128x64xf32> to vector<128xf32>
    %broadcast_in_dim3A = vector.shape_cast %reduce_sum3A_16 : vector<128xf32> to vector<128x1xf32>
    %get3A_17 = arith.constant 0 : index
    %get3A_18 = arith.constant 0 : index
    %get3A_19 = vector.load %arg5[%get3A_17, %get3A_18] : memref<1x1xf32, #tpu.memory_space<vmem>>, vector<1x1xf32>
    %get3A_20 = vector.extract %get3A_19[0, 0] : f32 from vector<1x1xf32>
    %add3A_21 = vector.broadcast %get3A_20 : f32 to vector<128x1xf32>
    %add3A_22 = arith.addf %broadcast_in_dim3A, %add3A_21 : vector<128x1xf32>
    %swap3A = arith.constant 0 : index
    %swap3A_23 = arith.constant 0 : index
    %swap3A_24 = vector.load %arg6[%swap3A, %swap3A_23] : memref<128x1xf32, #tpu.memory_space<vmem>>, vector<128x1xf32>
    tpu.vector_store %arg6[%swap3A, %swap3A_23], %add3A_22 {strides = array<i32>} : memref<128x1xf32, #tpu.memory_space<vmem>>, vector<128x1xf32>,
    return
  }
  func.func @transform_0(%arg0: i32) -> (i32, i32) {
    %c0_i32 = arith.constant 0 : i32
    %c0_i32_0 = arith.constant 0 : i32
    return %arg0, %c0_i32 : i32, i32
  }
  func.func @transform_1(%arg0: i32) -> (i32, i32) {
    %c0_i32 = arith.constant 0 : i32
    %c0_i32_0 = arith.constant 0 : i32
    %c0_i32_1 = arith.constant 0 : i32
    return %c0_i32, %c0_i32_0 : i32, i32
  }
  func.func @transform_2(%arg0: i32) -> (i32, i32) {
    %c0_i32 = arith.constant 0 : i32
    %c0_i32_0 = arith.constant 0 : i32
    %c0_i32_1 = arith.constant 0 : i32
    return %c0_i32, %c0_i32_0 : i32, i32
  }
  func.func @transform_3(%arg0: i32) -> (i32, i32) {
    %c0_i32 = arith.constant 0 : i32
    %c0_i32_0 = arith.constant 0 : i32
    %c0_i32_1 = arith.constant 0 : i32
    return %c0_i32, %c0_i32_0 : i32, i32
  }
  func.func @transform_4(%arg0: i32) -> (i32, i32) {
    %c0_i32 = arith.constant 0 : i32
    %c0_i32_0 = arith.constant 0 : i32
    %c0_i32_1 = arith.constant 0 : i32
    return %c0_i32, %c0_i32_0 : i32, i32
  }
  func.func @transform_5(%arg0: i32) -> (i32, i32) {
    %c0_i32 = arith.constant 0 : i32
    %c0_i32_0 = arith.constant 0 : i32
    return %arg0, %c0_i32 : i32, i32
  }
}

</mosaic_0001>

<sc_bundles>
// kernel: kernel.6.cloned.1.call-start
scs
__scs_entry_jumppad:
0x0: {  	(pc) =	sbr.rel $0x88, $3  }
0x1: {  	(tag) =	ssettag $0x0;
	lr =	simm.s32 $0x1  }
0x2: {  	[smem:$0x3F9B] =	sst lr;
	_ =	strace $0xD0000000  }
0x3: {  	_ = 	snop  }
0x4: {  	_ = 	snop  }
0x5: {  	_ = 	snop  }
0x6: {  	_ = 	snop  }
0x7: {  	_ = 	snop  }
__scs_overlays_trampoline_lowered:
0x8: {  	[smem:$0x3FAA] =	sst s0  }
0x9: {  	[smem:$0x3FAB] =	sst s1  }
0xa: {  	[smem:$0x3FAC] =	sst s2  }
0xb: {  	[smem:$0x3FAD] =	sst s3  }
0xc: {  	[smem:$0x3FAE] =	sst s4  }
0xd: {  	[smem:$0x3FAF] =	sst s5  }
0xe: {  	[smem:$0x3FB0] =	sst s6  }
0xf: {  	[smem:$0x3FB1] =	sst s7  }
0x10: {  	[smem:$0x3FB2] =	sst s8  }
0x11: {  	[smem:$0x3FB3] =	sst s9;
	s0 =	simm.s32 @!p0 $0x0  }
0x12: {  	s1 =	sld [smem:$0x3F99];
	s0 =	simm.s32 @p0 $0x1  }
0x13: {  	[smem:$0x3FB4] =	sst s0;
	s0 =	simm.s32 @!p1 $0x0  }
0x14: {  	s2 =	sld [smem:$0x3F98];
	s0 =	simm.s32 @p1 $0x1  }
0x15: {  	[smem:$0x3FB5] =	sst s0;
	s0 =	simm.s32 @!p2 $0x0  }
0x16: {  	s3 =	sld [smem:$0x3FDB];
	s0 =	simm.s32 @p2 $0x1  }
0x17: {  	s4 =	simm.s32 $0x1BF5;
	[smem:$0x3FB7] =	sst s0  }
0x18: {  	s0 =	sld [smem:$0x3F9A];
	_ =	swait.ge [sflag:s4], $0x0  }
0x19: {  	s7 =	sld [smem:$0x3F9B]  }
0x1a: {  	s8 =	sadd.s32 $0xFFFFE003, lr  }
0x1b: {  	s9 =	sadd.s32 $0xFFFFFEF7, lr;
	s5 =	simm.s32 $0xFFFFFFFF;
	p2 =	slt.u32 s8, $0xFFFFF086  }
0x1c: {  	p1 =	slt.u32 s9, $0xF7A;
	s5 =	simm.s32 @!p2 $0x0  }
0x1d: {  	s5 =	simm.s32 @p1 $0x1;
	p0 =	seq.s32 s7, s2  }
0x1e: {  	s7 =	smul.u32 @!p0 $0xF7A, s2;
	p2 =	seq.s32 @!p0 s5, $0x0  }
0x1f: {  	s9 =	smul.u32 $0xF7A, s1;
	s8 =	simm.s32 @!p0 $0x1BF5;
	p2 =	por !p2, p0  }
0x20: {  	[sflag:s8] =	ssyncset.s32 @!p0 $0xFFFFF086;
	s6 =	sadd.s32 @!p0 s3, s7;
	s7 =	simm.s32 @!p0 $0x108  }
0x21: {  	s3 =	sadd.s32 s3, s9;
	s6 =	sadd.s32 @!p0 $0x88, s6;
	s7 =	simm.s32 @p2 $0x1082  }
0x22: {  	[simem:s7], [sflag:s8] =	dma.local @!p0 [hbm:s6], $0xF7A  }
0x23: {  	s9 =	sor.u32 $0xD0000000, s2;
	s6 =	simm.s32 $0x108;
	_ =	swait.ge @!p0 [sflag:s8], $0x0  }
0x24: {  	s3 =	sadd.s32 $0x88, s3;
	s6 =	simm.s32 @!p1 $0x1082;
	[sflag:s4] =	ssyncset.s32 $0xFFFFF086  }
0x25: {  	[simem:s6], [sflag:s4] =	dma.local [hbm:s3], $0xF7A  }
0x26: {  	[smem:$0x3F9B] =	sst s1;
	(tag) =	ssettag s2;
	_ =	strace s9  }
0x27: {  	s1 =	sld [smem:$0x3FAB]  }
0x28: {  	s2 =	sld [smem:$0x3FAC]  }
0x29: {  	s4 =	sld [smem:$0x3FAE]  }
0x2a: {  	p0 =	seq.s32 s5, $0x0;
	s5 =	sld [smem:$0x3FAF]  }
0x2b: {  	s6 =	sld [smem:$0x3FB0]  }
0x2c: {  	s7 =	sld [smem:$0x3FB1]  }
0x2d: {  	s3 =	simm.s32 $0x108;
	s8 =	sld [smem:$0x3FB2]  }
0x2e: {  	s3 =	simm.s32 @!p0 $0x1082;
	s9 =	sld [smem:$0x3FB3]  }
0x2f: {  	lr =	sadd.s32 s0, s3;
	s0 =	sld [smem:$0x3FAA]  }
0x30: {  	s3 =	sld [smem:$0x3FAD]  }
0x31: {  	[smem:$0x3FB6] =	sst s10  }
0x32: {  	s10 =	sld [smem:$0x3FB4];
	_ =	sdelay $0x3  }
0x33: {  	p0 =	seq.s32 s10, $0x1;
	s10 =	sld [smem:$0x3FB6];
	_ =	sdelay $0x3  }
0x34: {  	[smem:$0x3FB6] =	sst s10  }
0x35: {  	s10 =	sld [smem:$0x3FB5];
	_ =	sdelay $0x3  }
0x36: {  	p1 =	seq.s32 s10, $0x1;
	s10 =	sld [smem:$0x3FB6];
	_ =	sdelay $0x3  }
0x37: {  	[smem:$0x3FB6] =	sst s10  }
0x38: {  	s10 =	sld [smem:$0x3FB7]  }
0x39: {  	_ = 	snop;
	(pc) =	sbr.ind lr, $3  }
0x3a: {  	_ = 	snop  }
0x3b: {  	_ = 	snop  }
0x3c: {  	p2 =	seq.s32 s10, $0x1;
	s10 =	sld [smem:$0x3FB6]  }
0x3d: {  	_ =	shalt  }
0x3e: {  	_ =	shalt  }
0x3f: {  	_ =	shalt  }
0x40: {  	_ =	shalt  }
0x41: {  	_ =	shalt  }
0x42: {  	_ =	shalt  }
0x43: {  	_ =	shalt  }
0x44: {  	_ =	shalt  }
0x45: {  	_ =	shalt  }
0x46: {  	_ =	shalt  }
0x47: {  	_ =	shalt  }
0x48: {  	_ =	shalt  }
0x49: {  	_ =	shalt  }
0x4a: {  	_ =	shalt  }
0x4b: {  	_ =	shalt  }
0x4c: {  	_ =	shalt  }
0x4d: {  	_ =	shalt  }
0x4e: {  	_ =	shalt  }
0x4f: {  	_ =	shalt  }
0x50: {  	_ =	shalt  }
0x51: {  	_ =	shalt  }
0x52: {  	_ =	shalt  }
0x53: {  	_ =	shalt  }
0x54: {  	_ =	shalt  }
0x55: {  	_ =	shalt  }
0x56: {  	_ =	shalt  }
0x57: {  	_ =	shalt  }
0x58: {  	_ =	shalt  }
0x59: {  	_ =	shalt  }
0x5a: {  	_ =	shalt  }
0x5b: {  	_ =	shalt  }
0x5c: {  	_ =	shalt  }
0x5d: {  	_ =	shalt  }
0x5e: {  	_ =	shalt  }
0x5f: {  	_ =	shalt  }
0x60: {  	_ =	shalt  }
0x61: {  	_ =	shalt  }
0x62: {  	_ =	shalt  }
0x63: {  	_ =	shalt  }
0x64: {  	_ =	shalt  }
0x65: {  	_ =	shalt  }
0x66: {  	_ =	shalt  }
0x67: {  	_ =	shalt  }
0x68: {  	_ =	shalt  }
0x69: {  	_ =	shalt  }
0x6a: {  	_ =	shalt  }
0x6b: {  	_ =	shalt  }
0x6c: {  	_ =	shalt  }
0x6d: {  	_ =	shalt  }
0x6e: {  	_ =	shalt  }
0x6f: {  	_ =	shalt  }
0x70: {  	_ =	shalt  }
0x71: {  	_ =	shalt  }
0x72: {  	_ =	shalt  }
0x73: {  	_ =	shalt  }
0x74: {  	_ =	shalt  }
0x75: {  	_ =	shalt  }
0x76: {  	_ =	shalt  }
0x77: {  	_ =	shalt  }
0x78: {  	_ =	shalt  }
0x79: {  	_ =	shalt  }
0x7a: {  	_ =	shalt  }
0x7b: {  	_ =	shalt  }
0x7c: {  	_ =	shalt  }
0x7d: {  	_ =	shalt  }
0x7e: {  	_ =	shalt  }
0x7f: {  	_ =	shalt  }
0x80: {  	_ =	shalt  }
0x81: {  	_ =	shalt  }
0x82: {  	_ =	shalt  }
0x83: {  	_ =	shalt  }
0x84: {  	_ =	shalt  }
0x85: {  	_ =	shalt  }
0x86: {  	_ =	shalt  }
0x87: {  	_ =	shalt  }
.Lfunc_end0:
.L_simem_size_0:
called_computation_lowered:
.L_overlay_start_0:
0x88: {  	s2 =	sld [smem:$0x3FD9]  }
0x89: {  	s3 =	sld [smem:$0x3FFE];
	_ =	sdelay $0x1  }
0x8a: {  	s1 =	srdreg.scid  }
0x8b: {  	s0 =	sand.u32 $0x1, s1  }
0x8c: {  	s17 =	sshll.u32 s0, $0xA;
	s2 =	sadd.s32 s3, s2  }
0x8d: {  	s2 =	sadd.s32 s2, s17  }
0x8e: {  	[smem:$0x3FC2] =	sst s2  }
0x8f: {  	_ = 	snop  }
0x90: {  	s2 =	sld [smem:$0x3FC8];
	(tm) =	ssettm $0x1  }
0x91: {  	s18 =	sld [smem:$0x3FFB];
	_ =	sdelay $0x3  }
0x92: {  	_ =	strace s18  }
0x93: {  	s3 =	sld [smem:$0x3FFC];
	_ =	sdelay $0x3  }
0x94: {  	_ =	strace s3  }
0x95: {  	s3 =	sld [smem:$0x3FFD];
	_ =	sdelay $0x3  }
0x96: {  	_ =	strace s3  }
0x97: {  	_ =	strace $0x8FFFFFFF  }
0x98: {  	s19 =	sld [smem:$0x3FDB];
	_ =	sdelay $0x1  }
0x99: {  	s4 =	simm.s32 $_scs_section_size  }
0x9a: {  	s5 =	simm.s32 $_size__tile_overlayer_lowered;
	s6 =	simm.s32 $_tile_overlayer_lowered  }
0x9b: {  	s22 =	simm.s32 $0x1BFF;
	s21 =	sshll.u32 s6, $0x1;
	s3 =	sadd.s32 s4, s19  }
0x9c: {  	s7 =	simm.s32 $0x0;
	s20 =	sshll.u32 s5, $0x1;
	s5 =	sadd.s32 s21, s3  }
0x9d: {  	[timem:s7], [sflag:s22] =	dma.local [hbm:s5], s20  }
0x9e: {  	_ =	swait.ge [sflag:s22], s20  }
0x9f: {  	s4 =	ssub.s32 $0x0, s20;
	[sflag:s22] =	ssyncset.done $0x0  }
0xa0: {  	[sflag:s22] =	ssyncadd.s32 s4;
	_ =	sdelay $0x1  }
0xa1: {  	s23 =	simm.s32 $0x1B8B  }
0xa2: {  	_ =	swait.ge [sflag:s23], $0x1  }
0xa3: {  	[sflag:s23] =	ssyncset.done $0x0  }
0xa4: {  	s25 =	simm.s32 $0x1B8E;
	s24 =	sld [smem:$0x3FFE];
	[sflag:s23] =	ssyncadd.s32 $0xFFFFFFFF  }
0xa5: {  	s26 =	simm.s32 $execute0_lowered;
	[smem:$0x3FD2] =	sst s25  }
0xa6: {  	s5 =	sshll.u32 s26, $0x1;
	_ =	strace $0x80000046;
	[dreg:$0x1] =	wrdreg $0xFFFFFFFF  }
0xa7: {  	s28 =	simm.s32 $_size_execute0_lowered;
	s3 =	sadd.s32 s3, s5;
	[dreg:$0x0] =	wrdreg $0x0  }
0xa8: {  	s5 =	sshll.u32 s28, $0x1;
	[dreg:$0x2] =	wrdreg s3  }
0xa9: {  	[dreg:$0x3] =	wrdreg s5  }
0xaa: {  	[dreg:$0x4] =	wrdreg $0xC0  }
0xab: {  	_ =	task [dreg:s7], $0x5FFFF  }
0xac: {  	[dreg:$0x1] =	wrdreg $0xFFFFFFFF  }
0xad: {  	[dreg:$0x0] =	wrdreg $0x60  }
0xae: {  	[dreg:$0x2] =	wrdreg s2  }
0xaf: {  	[dreg:$0x3] =	wrdreg s24  }
0xb0: {  	[dreg:$0x4] =	wrdreg $0x9  }
0xb1: {  	_ =	task.clear_ibuf [dreg:s7], $0x5FFFF;
	_ =	strace $0x90000046  }
0xb2: {  	s29 =	simm.s32 $0x9;
	_ =	strace $0x80000048  }
0xb3: {  	_ =	swait.ge [sflag:s29], $0x1  }
0xb4: {  	[sflag:s29] =	ssyncadd.s32 $0xFFFFFFFF  }
0xb5: {  	_ =	strace $0x90000048  }
0xb6: {  	_ =	sfence  }
0xb7: {  	s30 =	sld [smem:$0x0];
	_ =	sdelay $0x2  }
0xb8: {  	s31 =	sshll.u32 s1, $0xD;
	s1 =	sshrl.u32 s1, $0x2  }
0xb9: {  	s3 =	sand.u32 $0x4000, s31;
	s1 =	sadd.s32 s1, s30  }
0xba: {  	s0 =	sor.u32 s3, s0;
	s1 =	sshll.u32 s1, $0x11  }
0xbb: {  	s0 =	sor.u32 s1, s0  }
0xbc: {  	s0 =	sadd.s32 $0x8F2B, s0  }
0xbd: {  	[sflag:s0] =	ssyncadd.remote.s32 $0x1  }
0xbe: {  	_ =	sfence.sel $0xFFFF  }
0xbf: {  	[dreg:$0x0] =	wrdreg $0xFFFFFFFF;
	(pc) =	sbr.abs _section_cstart, $3  }
0xc0: {  	[dreg:$0x1] =	wrdreg $0xFFFFFFFF  }
0xc1: {  	_ =	task.clear_ibuf [dreg:s7], $0x2FFFF;
	_ =	strace $0x9FFFFFFF  }
0xc2: {  	(tm) =	ssettm $0x7FFFFFFF  }
0xc3: {  	_ =	shalt  }
tec
execute0_lowered:
.L_overlay_start_1:
0x0: {  	(tag) =	ssettag $0x1  }
0x1: {  	s2 =	rddreg [dreg:$0x0]  }
0x2: {  	s0 =	rddreg [dreg:$0x1]  }
0x3: {  	s1 =	srdreg.scid;
	s4 =	stileid.u32  }
0x4: {  	s6 =	simm.s32 $0x0;
	s7 =	simm.s32 $0x5;
	s8 =	simm.s32 $0x3200  }
0x5: {  	s9 =	simm.s32 $0x2;
	s10 =	simm.s32 $0x80;
	s11 =	simm.s32 $0x400  }
0x6: {  	s12 =	simm.s32 $0xD200;
	s13 =	simm.s32 $0xE600;
	s14 =	simm.s32 $0xFA00  }
0x7: {  	s15 =	simm.s32 $0x10E00;
	s16 =	simm.s32 $0x12200;
	s17 =	simm.s32 $0x13600  }
0x8: {  	s18 =	simm.s32 $0x14A00;
	s19 =	simm.s32 $0x15E00;
	s20 =	simm.s32 $0x3  }
0x9: {  	s21 =	simm.s32 $0x4;
	s22 =	simm.s32 $0x140;
	s23 =	simm.s32 $0x1  }
0xa: {  	s24 =	simm.s32 $0x4600;
	s25 =	simm.s32 $0x5A00;
	s28 =	simm.s32 $0x8200  }
0xb: {  	s29 =	simm.s32 $0x9600;
	s30 =	simm.s32 $0xAA00;
	s1 =	sand.u32 $0x1, s1  }
0xc: {  	s3 =	sshll.u32 s4, $0x1;
	s4 =	smul.u32 $0x320000, s4;
	[smem:$0x7FF] =	sst s6  }
0xd: {  	s3 =	sor.u32 s1, s3;
	s5 =	smul.u32 $0x190000, s1;
	s1 =	ssub.s32 $0x2, s1  }
0xe: {  	_ =	strace $0x80000047;
	s3 =	smul.u32 $0x640, s3;
	s26 =	sshrl.u32 s1, $0x1  }
.Ltmp0:
0xf: {  	s4 =	sadd.s32 s5, s4;
	s1 =	ssub.s32 s1, s26;
	(pc) =	sbr.rel .LBB2_1-.Ltmp0, $4  }
0x10: {  	s3 =	sadd.s32 s3, s0;
	s4 =	sshrl.u32 s4, $0x3;
	s1 =	smax.u32 s1, $0x1  }
0x11: {  	s0 =	sadd.s32 s4, s0;
	s3 =	sadd.s32 $0xDA00, s3;
	[dreg:$0x4] =	wrdreg s1  }
0x12: {  	s31 =	simm.s32 $0xBE00;
	[dreg:$0x3] =	wrdreg s3;
	s0 =	sadd.s32 $0x1A200, s0  }
0x13: {  	s26 =	simm.s32 $0x6E00;
	[dreg:$0x5] =	wrdreg s0;
	s0 =	simm.s32 $0x0  }
.LBB2_10:
0x14: {  	_ =	swait.ge [sflag:s20], $0xA000  }
0x15: {  	[sflag:s20] =	ssyncset.done $0x0  }
0x16: {  	[sflag:s20] =	ssyncadd.s32 $0xFFFF6000  }
0x17: {  	_ =	swait.ge [sflag:s21], $0xA000  }
0x18: {  	s0 =	sadd.s32 $0x1, s0;
	s1 =	rddreg [dreg:$0x4]  }
0x19: {  	p0 =	sne.s32 s0, s1  }
.Ltmp1:
0x1a: {  	_ = 	snop;
	(pc) =	sbr.rel @!p0 .LBB2_11-.Ltmp1, $3  }
0x1b: {  	_ =	sdelay $0x1  }
0x1c: {  	[sflag:s21] =	ssyncset.done $0x0  }
0x1d: {  	[sflag:s21] =	ssyncadd.s32 $0xFFFF6000  }
.LBB2_1:
0x1e: {  	s1 =	simm.s32 $0x0;
	s3 =	rddreg [dreg:$0x3]  }
0x1f: {  	[tilespmem:s1], [sflag:$0x5] =	stream.linear.gather [hbm4b:s3+s1], $0x3200, $0x38;
	[tilespmem:$0x17200] =	vst v63  }
.Ltmp2:
0x20: {  	_ = 	snop;
	(pc) =	sbr.rel .LBB2_2-.Ltmp2, $4  }
0x21: {  	_ =	swait.ge [sflag:s7], $0x3200  }
0x22: {  	s4 =	simm.s32 $0x0;
	[sflag:s7] =	ssyncset.done $0x0  }
0x23: {  	s3 =	simm.s32 $0x140;
	s6 =	rddreg [dreg:$0x5];
	[sflag:s7] =	ssyncadd.s32 $0xFFFFCE00  }
0x24: {  	[tilespmem:s8], [sflag:$0x1] =	stream.indirect.gather [hbm4b:s2+s22], $0x80, s1, s22, $0xb8;
	[tilespmem:$0x17200] =	vst v63  }
.LBB2_8:
0x25: {  	p0 =	seq.s32 s4, $0x27  }
0x26: {  	s5 =	simm.s32 @!p0 $0x3  }
0x27: {  	_ =	swait.ge @!p0 [sflag:s5], $0xA000  }
0x28: {  	[sflag:s5] =	ssyncset.done @!p0 $0x0  }
0x29: {  	s1 =	simm.s32 @!p0 $0x3200;
	[sflag:s5] =	ssyncadd.s32 @!p0 $0xFFFF6000;
	s5 =	simm.s32 @!p0 $0x140  }
0x2a: {  	[tilespmem:s1], [sflag:$0x1] =	stream.indirect.gather @!p0 [hbm4b:s2+s5], $0x80, s3, s5, $0xb8;
	[tilespmem:$0x17200] =	vst v63  }
0x2b: {  	_ =	swait.ge [sflag:s9], $0xA000  }
0x2c: {  	[sflag:s9] =	ssyncset.done $0x0  }
0x2d: {  	[sflag:s9] =	ssyncadd.s32 $0xFFFF6000  }
0x2e: {  	[hbm4b:s6+s10] =	stream.strided.scatter [tilespmem:s12], [sflag:$0x4], $0x1400, s11, s10, $0x38;
	[tilespmem:$0x17200] =	vst v63  }
0x2f: {  	s5 =	sadd.s32 $0x10, s6  }
0x30: {  	[hbm4b:s5+s10] =	stream.strided.scatter [tilespmem:s13], [sflag:$0x4], $0x1400, s11, s10, $0x38;
	[tilespmem:$0x17200] =	vst v63  }
0x31: {  	s5 =	sadd.s32 $0x20, s6  }
0x32: {  	[hbm4b:s5+s10] =	stream.strided.scatter [tilespmem:s14], [sflag:$0x4], $0x1400, s11, s10, $0x38;
	[tilespmem:$0x17200] =	vst v63  }
0x33: {  	s5 =	sadd.s32 $0x30, s6  }
0x34: {  	[hbm4b:s5+s10] =	stream.strided.scatter [tilespmem:s15], [sflag:$0x4], $0x1400, s11, s10, $0x38;
	[tilespmem:$0x17200] =	vst v63  }
0x35: {  	s5 =	sadd.s32 $0x40, s6  }
0x36: {  	[hbm4b:s5+s10] =	stream.strided.scatter [tilespmem:s16], [sflag:$0x4], $0x1400, s11, s10, $0x38;
	[tilespmem:$0x17200] =	vst v63  }
0x37: {  	s5 =	sadd.s32 $0x50, s6  }
0x38: {  	[hbm4b:s5+s10] =	stream.strided.scatter [tilespmem:s17], [sflag:$0x4], $0x1400, s11, s10, $0x38;
	[tilespmem:$0x17200] =	vst v63  }
0x39: {  	s5 =	sadd.s32 $0x60, s6  }
0x3a: {  	[hbm4b:s5+s10] =	stream.strided.scatter [tilespmem:s18], [sflag:$0x4], $0x1400, s11, s10, $0x38;
	[tilespmem:$0x17200] =	vst v63  }
0x3b: {  	s5 =	sadd.s32 $0x70, s6  }
0x3c: {  	[hbm4b:s5+s10] =	stream.strided.scatter [tilespmem:s19], [sflag:$0x4], $0x1400, s11, s10, $0x38;
	[tilespmem:$0x17200] =	vst v63  }
.LBB2_9:
0x3d: {  	s4 =	sadd.s32 $0x1, s4  }
0x3e: {  	p0 =	sne.s32 s4, $0x28  }
.Ltmp3:
0x3f: {  	_ = 	snop;
	(pc) =	sbr.rel @!p0 .LBB2_10-.Ltmp3, $2  }
0x40: {  	_ =	sdelay $0x2  }
0x41: {  	s3 =	sadd.s32 $0x140, s3;
	s6 =	sadd.s32 $0x1400, s6  }
.LBB2_2:
0x42: {  	s5 =	sand.u32 $0x1, s4  }
0x43: {  	p0 =	seq.s32 s5, $0x1  }
.Ltmp4:
0x44: {  	_ = 	snop;
	(pc) =	sbr.rel @p0 .LBB2_8-.Ltmp4, $1  }
0x45: {  	_ =	sdelay $0x3  }
0x46: {  	p0 =	seq.s32 s4, $0x0  }
.Ltmp5:
0x47: {  	_ = 	snop;
	(pc) =	sbr.rel @p0 .LBB2_6-.Ltmp5, $1  }
0x48: {  	_ =	sdelay $0x3  }
0x49: {  	p0 =	seq.s32 s4, $0x27  }
.Ltmp6:
0x4a: {  	_ = 	snop;
	(pc) =	sbr.rel @p0 .LBB2_7-.Ltmp6, $1  }
0x4b: {  	_ =	sdelay $0x3  }
0x4c: {  	_ =	swait.ge [sflag:s21], $0xA000  }
0x4d: {  	[sflag:s21] =	ssyncset.done $0x0  }
0x4e: {  	[sflag:s21] =	ssyncadd.s32 $0xFFFF6000  }
.LBB2_6:
0x4f: {  	[tilespmem:s12], [sflag:$0x2] =	stream.indirect.gather [hbm4b:s2+s22], $0x80, s3, s22, $0xb8;
	[tilespmem:$0x17200] =	vst v63  }
.LBB2_7:
0x50: {  	_ =	swait.ge [sflag:s23], $0xA000  }
0x51: {  	[sflag:s23] =	ssyncset.done $0x0  }
0x52: {  	[sflag:s23] =	ssyncadd.s32 $0xFFFF6000  }
0x53: {  	[hbm4b:s6+s10] =	stream.strided.scatter [tilespmem:s8], [sflag:$0x3], $0x1400, s11, s10, $0x38;
	[tilespmem:$0x17200] =	vst v63  }
0x54: {  	s5 =	sadd.s32 $0x10, s6  }
0x55: {  	[hbm4b:s5+s10] =	stream.strided.scatter [tilespmem:s24], [sflag:$0x3], $0x1400, s11, s10, $0x38;
	[tilespmem:$0x17200] =	vst v63  }
0x56: {  	s1 =	sadd.s32 $0x20, s6  }
0x57: {  	[hbm4b:s1+s10] =	stream.strided.scatter [tilespmem:s25], [sflag:$0x3], $0x1400, s11, s10, $0x38;
	[tilespmem:$0x17200] =	vst v63  }
0x58: {  	s1 =	sadd.s32 $0x30, s6  }
0x59: {  	[hbm4b:s1+s10] =	stream.strided.scatter [tilespmem:s26], [sflag:$0x3], $0x1400, s11, s10, $0x38;
	[tilespmem:$0x17200] =	vst v63  }
0x5a: {  	s1 =	sadd.s32 $0x40, s6  }
0x5b: {  	[hbm4b:s1+s10] =	stream.strided.scatter [tilespmem:s28], [sflag:$0x3], $0x1400, s11, s10, $0x38;
	[tilespmem:$0x17200] =	vst v63  }
0x5c: {  	s1 =	sadd.s32 $0x50, s6  }
0x5d: {  	[hbm4b:s1+s10] =	stream.strided.scatter [tilespmem:s29], [sflag:$0x3], $0x1400, s11, s10, $0x38;
	[tilespmem:$0x17200] =	vst v63  }
.Ltmp7:
0x5e: {  	_ = 	snop;
	(pc) =	sbr.rel .LBB2_9-.Ltmp7, $4  }
0x5f: {  	s1 =	sadd.s32 $0x60, s6  }
0x60: {  	[hbm4b:s1+s10] =	stream.strided.scatter [tilespmem:s30], [sflag:$0x3], $0x1400, s11, s10, $0x38;
	[tilespmem:$0x17200] =	vst v63  }
0x61: {  	s1 =	sadd.s32 $0x70, s6  }
0x62: {  	[hbm4b:s1+s10] =	stream.strided.scatter [tilespmem:s31], [sflag:$0x3], $0x1400, s11, s10, $0x38;
	[tilespmem:$0x17200] =	vst v63  }
.LBB2_11:
0x63: {  	_ =	sfence.sel $0x180000  }
0x64: {  	[bflag:$0x0] =	sbarrier.arrive $0xFFFF  }
0x65: {  	_ =	strace $0x90000047  }
0x66: {  	s0 =	stileid.u32;
	[bflag:$0x2] =	sbarrier.arrive $0xFFFF  }
0x67: {  	p0 =	sne.s32 s0, $0x0;
	s0 =	rddreg [dreg:$0x2]  }
0x68: {  	s0 =	sadd.s32 @!p0 $0x100000, s0  }
0x69: {  	[sflag:s0] =	ssyncadd.tile.s32 @!p0 $0x1;
	_ =	shalt  }
.Lfunc_end2:
_tile_overlayer_lowered:
.L_overlay_start_2:
0x6a: {  	(tag) =	ssettag $0x2  }
0x6b: {  	s0 =	rddreg [dreg:$0x0];
	s2 =	stileid.u32  }
0x6c: {  	s1 =	rddreg [dreg:$0x1];
	p0 =	sne.s32 s2, $0x0  }
0x6d: {  	s3 =	rddreg [dreg:$0x2];
	[bflag:$0x3] =	sbarrier.arrive $0xFFFF;
	s2 =	simm.s32 @!p0 $0x1C05  }
0x6e: {  	[timem:s3], [sflag:s2] =	dma.local @!p0 [hbm:s0], s1  }
0x6f: {  	s0 =	simm.s32 @!p0 $0x5  }
0x70: {  	_ =	swait.ge @!p0 [sflag:s0], s1  }
0x71: {  	s1 =	ssub.s32 @!p0 $0x0, s1;
	[sflag:s0] =	ssyncset.done @!p0 $0x0  }
0x72: {  	[sflag:s0] =	ssyncadd.s32 @!p0 s1  }
0x73: {  	[bflag:$0x3] =	sbarrier.arrive $0xFFFF  }
0x74: {  	_ =	shalt  }

// kernel: kernel.9.cloned.1.call-start
scs
__scs_entry_jumppad:
0x0: {  	(pc) =	sbr.rel $0x88, $3  }
0x1: {  	(tag) =	ssettag $0x0;
	lr =	simm.s32 $0x1  }
0x2: {  	[smem:$0x3F9B] =	sst lr;
	_ =	strace $0xD0000000  }
0x3: {  	_ = 	snop  }
0x4: {  	_ = 	snop  }
0x5: {  	_ = 	snop  }
0x6: {  	_ = 	snop  }
0x7: {  	_ = 	snop  }
__scs_overlays_trampoline_lowered:
0x8: {  	[smem:$0x3FAA] =	sst s0  }
0x9: {  	[smem:$0x3FAB] =	sst s1  }
0xa: {  	[smem:$0x3FAC] =	sst s2  }
0xb: {  	[smem:$0x3FAD] =	sst s3  }
0xc: {  	[smem:$0x3FAE] =	sst s4  }
0xd: {  	[smem:$0x3FAF] =	sst s5  }
0xe: {  	[smem:$0x3FB0] =	sst s6  }
0xf: {  	[smem:$0x3FB1] =	sst s7  }
0x10: {  	[smem:$0x3FB2] =	sst s8  }
0x11: {  	[smem:$0x3FB3] =	sst s9;
	s0 =	simm.s32 @!p0 $0x0  }
0x12: {  	s1 =	sld [smem:$0x3F99];
	s0 =	simm.s32 @p0 $0x1  }
0x13: {  	[smem:$0x3FB4] =	sst s0;
	s0 =	simm.s32 @!p1 $0x0  }
0x14: {  	s2 =	sld [smem:$0x3F98];
	s0 =	simm.s32 @p1 $0x1  }
0x15: {  	[smem:$0x3FB5] =	sst s0;
	s0 =	simm.s32 @!p2 $0x0  }
0x16: {  	s3 =	sld [smem:$0x3FDB];
	s0 =	simm.s32 @p2 $0x1  }
0x17: {  	s4 =	simm.s32 $0x1BF5;
	[smem:$0x3FB7] =	sst s0  }
0x18: {  	s0 =	sld [smem:$0x3F9A];
	_ =	swait.ge [sflag:s4], $0x0  }
0x19: {  	s7 =	sld [smem:$0x3F9B]  }
0x1a: {  	s8 =	sadd.s32 $0xFFFFE003, lr  }
0x1b: {  	s9 =	sadd.s32 $0xFFFFFEF7, lr;
	s5 =	simm.s32 $0xFFFFFFFF;
	p2 =	slt.u32 s8, $0xFFFFF086  }
0x1c: {  	p1 =	slt.u32 s9, $0xF7A;
	s5 =	simm.s32 @!p2 $0x0  }
0x1d: {  	s5 =	simm.s32 @p1 $0x1;
	p0 =	seq.s32 s7, s2  }
0x1e: {  	s7 =	smul.u32 @!p0 $0xF7A, s2;
	p2 =	seq.s32 @!p0 s5, $0x0  }
0x1f: {  	s9 =	smul.u32 $0xF7A, s1;
	s8 =	simm.s32 @!p0 $0x1BF5;
	p2 =	por !p2, p0  }
0x20: {  	[sflag:s8] =	ssyncset.s32 @!p0 $0xFFFFF086;
	s6 =	sadd.s32 @!p0 s3, s7;
	s7 =	simm.s32 @!p0 $0x108  }
0x21: {  	s3 =	sadd.s32 s3, s9;
	s6 =	sadd.s32 @!p0 $0x88, s6;
	s7 =	simm.s32 @p2 $0x1082  }
0x22: {  	[simem:s7], [sflag:s8] =	dma.local @!p0 [hbm:s6], $0xF7A  }
0x23: {  	s9 =	sor.u32 $0xD0000000, s2;
	s6 =	simm.s32 $0x108;
	_ =	swait.ge @!p0 [sflag:s8], $0x0  }
0x24: {  	s3 =	sadd.s32 $0x88, s3;
	s6 =	simm.s32 @!p1 $0x1082;
	[sflag:s4] =	ssyncset.s32 $0xFFFFF086  }
0x25: {  	[simem:s6], [sflag:s4] =	dma.local [hbm:s3], $0xF7A  }
0x26: {  	[smem:$0x3F9B] =	sst s1;
	(tag) =	ssettag s2;
	_ =	strace s9  }
0x27: {  	s1 =	sld [smem:$0x3FAB]  }
0x28: {  	s2 =	sld [smem:$0x3FAC]  }
0x29: {  	s4 =	sld [smem:$0x3FAE]  }
0x2a: {  	p0 =	seq.s32 s5, $0x0;
	s5 =	sld [smem:$0x3FAF]  }
0x2b: {  	s6 =	sld [smem:$0x3FB0]  }
0x2c: {  	s7 =	sld [smem:$0x3FB1]  }
0x2d: {  	s3 =	simm.s32 $0x108;
	s8 =	sld [smem:$0x3FB2]  }
0x2e: {  	s3 =	simm.s32 @!p0 $0x1082;
	s9 =	sld [smem:$0x3FB3]  }
0x2f: {  	lr =	sadd.s32 s0, s3;
	s0 =	sld [smem:$0x3FAA]  }
0x30: {  	s3 =	sld [smem:$0x3FAD]  }
0x31: {  	[smem:$0x3FB6] =	sst s10  }
0x32: {  	s10 =	sld [smem:$0x3FB4];
	_ =	sdelay $0x3  }
0x33: {  	p0 =	seq.s32 s10, $0x1;
	s10 =	sld [smem:$0x3FB6];
	_ =	sdelay $0x3  }
0x34: {  	[smem:$0x3FB6] =	sst s10  }
0x35: {  	s10 =	sld [smem:$0x3FB5];
	_ =	sdelay $0x3  }
0x36: {  	p1 =	seq.s32 s10, $0x1;
	s10 =	sld [smem:$0x3FB6];
	_ =	sdelay $0x3  }
0x37: {  	[smem:$0x3FB6] =	sst s10  }
0x38: {  	s10 =	sld [smem:$0x3FB7]  }
0x39: {  	_ = 	snop;
	(pc) =	sbr.ind lr, $3  }
0x3a: {  	_ = 	snop  }
0x3b: {  	_ = 	snop  }
0x3c: {  	p2 =	seq.s32 s10, $0x1;
	s10 =	sld [smem:$0x3FB6]  }
0x3d: {  	_ =	shalt  }
0x3e: {  	_ =	shalt  }
0x3f: {  	_ =	shalt  }
0x40: {  	_ =	shalt  }
0x41: {  	_ =	shalt  }
0x42: {  	_ =	shalt  }
0x43: {  	_ =	shalt  }
0x44: {  	_ =	shalt  }
0x45: {  	_ =	shalt  }
0x46: {  	_ =	shalt  }
0x47: {  	_ =	shalt  }
0x48: {  	_ =	shalt  }
0x49: {  	_ =	shalt  }
0x4a: {  	_ =	shalt  }
0x4b: {  	_ =	shalt  }
0x4c: {  	_ =	shalt  }
0x4d: {  	_ =	shalt  }
0x4e: {  	_ =	shalt  }
0x4f: {  	_ =	shalt  }
0x50: {  	_ =	shalt  }
0x51: {  	_ =	shalt  }
0x52: {  	_ =	shalt  }
0x53: {  	_ =	shalt  }
0x54: {  	_ =	shalt  }
0x55: {  	_ =	shalt  }
0x56: {  	_ =	shalt  }
0x57: {  	_ =	shalt  }
0x58: {  	_ =	shalt  }
0x59: {  	_ =	shalt  }
0x5a: {  	_ =	shalt  }
0x5b: {  	_ =	shalt  }
0x5c: {  	_ =	shalt  }
0x5d: {  	_ =	shalt  }
0x5e: {  	_ =	shalt  }
0x5f: {  	_ =	shalt  }
0x60: {  	_ =	shalt  }
0x61: {  	_ =	shalt  }
0x62: {  	_ =	shalt  }
0x63: {  	_ =	shalt  }
0x64: {  	_ =	shalt  }
0x65: {  	_ =	shalt  }
0x66: {  	_ =	shalt  }
0x67: {  	_ =	shalt  }
0x68: {  	_ =	shalt  }
0x69: {  	_ =	shalt  }
0x6a: {  	_ =	shalt  }
0x6b: {  	_ =	shalt  }
0x6c: {  	_ =	shalt  }
0x6d: {  	_ =	shalt  }
0x6e: {  	_ =	shalt  }
0x6f: {  	_ =	shalt  }
0x70: {  	_ =	shalt  }
0x71: {  	_ =	shalt  }
0x72: {  	_ =	shalt  }
0x73: {  	_ =	shalt  }
0x74: {  	_ =	shalt  }
0x75: {  	_ =	shalt  }
0x76: {  	_ =	shalt  }
0x77: {  	_ =	shalt  }
0x78: {  	_ =	shalt  }
0x79: {  	_ =	shalt  }
0x7a: {  	_ =	shalt  }
0x7b: {  	_ =	shalt  }
0x7c: {  	_ =	shalt  }
0x7d: {  	_ =	shalt  }
0x7e: {  	_ =	shalt  }
0x7f: {  	_ =	shalt  }
0x80: {  	_ =	shalt  }
0x81: {  	_ =	shalt  }
0x82: {  	_ =	shalt  }
0x83: {  	_ =	shalt  }
0x84: {  	_ =	shalt  }
0x85: {  	_ =	shalt  }
0x86: {  	_ =	shalt  }
0x87: {  	_ =	shalt  }
.Lfunc_end0:
.L_simem_size_0:
called_computation.1_lowered:
.L_overlay_start_0:
0x88: {  	s2 =	sld [smem:$0x3FD9]  }
0x89: {  	s3 =	sld [smem:$0x3FFE];
	_ =	sdelay $0x1  }
0x8a: {  	s1 =	srdreg.scid  }
0x8b: {  	s0 =	sand.u32 $0x1, s1  }
0x8c: {  	s17 =	sshll.u32 s0, $0xA;
	s2 =	sadd.s32 s3, s2  }
0x8d: {  	s2 =	sadd.s32 s2, s17  }
0x8e: {  	[smem:$0x3FC2] =	sst s2  }
0x8f: {  	_ = 	snop  }
0x90: {  	s18 =	sld [smem:$0x3FC8];
	(tm) =	ssettm $0x1  }
0x91: {  	s19 =	sld [smem:$0x3FFB];
	_ =	sdelay $0x3  }
0x92: {  	_ =	strace s19  }
0x93: {  	s2 =	sld [smem:$0x3FFC];
	_ =	sdelay $0x3  }
0x94: {  	_ =	strace s2  }
0x95: {  	s2 =	sld [smem:$0x3FFD];
	_ =	sdelay $0x3  }
0x96: {  	_ =	strace s2  }
0x97: {  	_ =	strace $0x8FFFFFFF  }
0x98: {  	s20 =	sld [smem:$0x3FDB];
	_ =	sdelay $0x1  }
0x99: {  	s4 =	simm.s32 $_scs_section_size  }
0x9a: {  	s5 =	simm.s32 $_size__tile_overlayer_lowered;
	s6 =	simm.s32 $_tile_overlayer_lowered  }
0x9b: {  	s7 =	simm.s32 $0x1BFF;
	s21 =	sshll.u32 s6, $0x1;
	s4 =	sadd.s32 s4, s20  }
0x9c: {  	s22 =	simm.s32 $0x0;
	s5 =	sshll.u32 s5, $0x1;
	s6 =	sadd.s32 s21, s4  }
0x9d: {  	[timem:s22], [sflag:s7] =	dma.local [hbm:s6], s5  }
0x9e: {  	_ =	swait.ge [sflag:s7], s5  }
0x9f: {  	s5 =	ssub.s32 $0x0, s5;
	[sflag:s7] =	ssyncset.done $0x0  }
0xa0: {  	[sflag:s7] =	ssyncadd.s32 s5;
	_ =	sdelay $0x1  }
0xa1: {  	s23 =	simm.s32 $0x1B8B  }
0xa2: {  	_ =	swait.ge [sflag:s23], $0x1  }
0xa3: {  	[sflag:s23] =	ssyncset.done $0x0  }
0xa4: {  	[sflag:s23] =	ssyncadd.s32 $0xFFFFFFFF  }
0xa5: {  	s5 =	sld [smem:$0x0]  }
0xa6: {  	s6 =	sand.u32 $0xFFFFFFFE, s1  }
0xa7: {  	p0 =	sne.s32 s1, s6  }
0xa8: {  	s6 =	sshll.u32 @p0 s6, $0xE  }
0xa9: {  	s6 =	sadd.s32 @p0 $0x11B8D, s6;
	s7 =	sshll.u32 @p0 s5, $0x11  }
0xaa: {  	s6 =	sor.u32 @p0 s7, s6  }
0xab: {  	[sflag:s6] =	ssyncadd.remote.s32 @p0 $0x1;
	_ =	sdelay $0x1  }
0xac: {  	s6 =	simm.s32 @p0 $0x1B8D  }
0xad: {  	_ =	swait.eq @p0 [sflag:s6], $0x1  }
0xae: {  	[sflag:s6] =	ssyncadd.s32 @p0 $0xFFFFFFFF  }
0xaf: {  	s7 =	sshll.u32 @!p0 s1, $0xE  }
0xb0: {  	s7 =	sor.u32 @!p0 $0x4000, s7;
	s6 =	simm.s32 @!p0 $0x1B8D  }
0xb1: {  	s5 =	sshll.u32 @!p0 s5, $0x11;
	s7 =	sadd.s32 @!p0 $0x11B8D, s7;
	_ =	swait.eq @!p0 [sflag:s6], $0x1  }
0xb2: {  	s5 =	sor.u32 @!p0 s5, s7;
	[sflag:s6] =	ssyncadd.s32 @!p0 $0xFFFFFFFF  }
0xb3: {  	s25 =	simm.s32 $0x1B8E;
	s24 =	sld [smem:$0x3FFE];
	[sflag:s5] =	ssyncadd.remote.s32 @!p0 $0x1  }
0xb4: {  	s26 =	simm.s32 $execute0_lowered;
	[smem:$0x3FD2] =	sst s25  }
0xb5: {  	s6 =	sshll.u32 s26, $0x1;
	_ =	strace $0x80000049;
	[dreg:$0x1] =	wrdreg $0xFFFFFFFF  }
0xb6: {  	s28 =	simm.s32 $_size_execute0_lowered;
	s4 =	sadd.s32 s4, s6;
	[dreg:$0x0] =	wrdreg $0x0  }
0xb7: {  	s6 =	sshll.u32 s28, $0x1;
	[dreg:$0x2] =	wrdreg s4  }
0xb8: {  	[dreg:$0x3] =	wrdreg s6  }
0xb9: {  	[dreg:$0x4] =	wrdreg $0xC0  }
0xba: {  	_ =	task [dreg:s22], $0x5FFFF  }
0xbb: {  	[dreg:$0x1] =	wrdreg $0xFFFFFFFF  }
0xbc: {  	[dreg:$0x0] =	wrdreg $0x60  }
0xbd: {  	[dreg:$0x2] =	wrdreg s18  }
0xbe: {  	[dreg:$0x3] =	wrdreg s24  }
0xbf: {  	[dreg:$0x4] =	wrdreg $0xA  }
0xc0: {  	_ =	task.clear_ibuf [dreg:s22], $0x5FFFF;
	_ =	strace $0x90000049  }
0xc1: {  	s29 =	simm.s32 $0xA;
	_ =	strace $0x8000004B  }
0xc2: {  	_ =	swait.ge [sflag:s29], $0x1  }
0xc3: {  	[sflag:s29] =	ssyncadd.s32 $0xFFFFFFFF  }
0xc4: {  	_ =	strace $0x9000004B  }
0xc5: {  	_ =	sfence  }
0xc6: {  	s30 =	sld [smem:$0x0];
	_ =	sdelay $0x2  }
0xc7: {  	s31 =	sshll.u32 s1, $0xD;
	s1 =	sshrl.u32 s1, $0x2  }
0xc8: {  	s4 =	sand.u32 $0x4000, s31;
	s1 =	sadd.s32 s1, s30  }
0xc9: {  	s0 =	sor.u32 s4, s0;
	s1 =	sshll.u32 s1, $0x11  }
0xca: {  	s0 =	sor.u32 s1, s0  }
0xcb: {  	s0 =	sadd.s32 $0x8F2B, s0  }
0xcc: {  	[sflag:s0] =	ssyncadd.remote.s32 $0x1  }
0xcd: {  	_ =	sfence.sel $0xFFFF  }
0xce: {  	[dreg:$0x0] =	wrdreg $0xFFFFFFFF;
	(pc) =	sbr.abs _section_cstart, $3  }
0xcf: {  	[dreg:$0x1] =	wrdreg $0xFFFFFFFF  }
0xd0: {  	_ =	task.clear_ibuf [dreg:s22], $0x2FFFF;
	_ =	strace $0x9FFFFFFF  }
0xd1: {  	(tm) =	ssettm $0x7FFFFFFF  }
tec
execute0_lowered:
.L_overlay_start_1:
0x0: {  	(tag) =	ssettag $0x1  }
0x1: {  	s2 =	rddreg [dreg:$0x0]  }
0x2: {  	s0 =	rddreg [dreg:$0x1]  }
0x3: {  	s1 =	srdreg.scid;
	s4 =	stileid.u32  }
0x4: {  	s6 =	simm.s32 $0x0;
	s7 =	simm.s32 $0x5;
	s8 =	simm.s32 $0x3200  }
0x5: {  	s9 =	simm.s32 $0x2;
	s10 =	simm.s32 $0x80;
	s11 =	simm.s32 $0x400  }
0x6: {  	s12 =	simm.s32 $0xD200;
	s13 =	simm.s32 $0xE600;
	s14 =	simm.s32 $0xFA00  }
0x7: {  	s15 =	simm.s32 $0x10E00;
	s16 =	simm.s32 $0x12200;
	s17 =	simm.s32 $0x13600  }
0x8: {  	s18 =	simm.s32 $0x14A00;
	s19 =	simm.s32 $0x15E00;
	s20 =	simm.s32 $0x3  }
0x9: {  	s21 =	simm.s32 $0x4;
	s22 =	simm.s32 $0x140;
	s23 =	simm.s32 $0x1  }
0xa: {  	s24 =	simm.s32 $0x4600;
	s25 =	simm.s32 $0x5A00;
	s28 =	simm.s32 $0x8200  }
0xb: {  	s29 =	simm.s32 $0x9600;
	s30 =	simm.s32 $0xAA00;
	s1 =	sand.u32 $0x1, s1  }
0xc: {  	s3 =	sshll.u32 s4, $0x1;
	s4 =	smul.u32 $0x320000, s4;
	[smem:$0x7FF] =	sst s6  }
0xd: {  	s3 =	sor.u32 s1, s3;
	s5 =	smul.u32 $0x190000, s1;
	s1 =	ssub.s32 $0x2, s1  }
0xe: {  	_ =	strace $0x8000004A;
	s3 =	smul.u32 $0x640, s3;
	s26 =	sshrl.u32 s1, $0x1  }
.Ltmp0:
0xf: {  	s4 =	sadd.s32 s5, s4;
	s1 =	ssub.s32 s1, s26;
	(pc) =	sbr.rel .LBB2_1-.Ltmp0, $4  }
0x10: {  	s3 =	sadd.s32 s3, s0;
	s4 =	sshrl.u32 s4, $0x3;
	s1 =	smax.u32 s1, $0x1  }
0x11: {  	s0 =	sadd.s32 s4, s0;
	s3 =	sadd.s32 $0x1200, s3;
	[dreg:$0x4] =	wrdreg s1  }
0x12: {  	s31 =	simm.s32 $0xBE00;
	[dreg:$0x3] =	wrdreg s3;
	s0 =	sadd.s32 $0x65A200, s0  }
0x13: {  	s26 =	simm.s32 $0x6E00;
	[dreg:$0x5] =	wrdreg s0;
	s0 =	simm.s32 $0x0  }
.LBB2_10:
0x14: {  	_ =	swait.ge [sflag:s20], $0xA000  }
0x15: {  	[sflag:s20] =	ssyncset.done $0x0  }
0x16: {  	[sflag:s20] =	ssyncadd.s32 $0xFFFF6000  }
0x17: {  	_ =	swait.ge [sflag:s21], $0xA000  }
0x18: {  	s0 =	sadd.s32 $0x1, s0;
	s1 =	rddreg [dreg:$0x4]  }
0x19: {  	p0 =	sne.s32 s0, s1  }
.Ltmp1:
0x1a: {  	_ = 	snop;
	(pc) =	sbr.rel @!p0 .LBB2_11-.Ltmp1, $3  }
0x1b: {  	_ =	sdelay $0x1  }
0x1c: {  	[sflag:s21] =	ssyncset.done $0x0  }
0x1d: {  	[sflag:s21] =	ssyncadd.s32 $0xFFFF6000  }
.LBB2_1:
0x1e: {  	s1 =	simm.s32 $0x0;
	s3 =	rddreg [dreg:$0x3]  }
0x1f: {  	[tilespmem:s1], [sflag:$0x5] =	stream.linear.gather [hbm4b:s3+s1], $0x3200, $0x38;
	[tilespmem:$0x17200] =	vst v63  }
.Ltmp2:
0x20: {  	_ = 	snop;
	(pc) =	sbr.rel .LBB2_2-.Ltmp2, $4  }
0x21: {  	_ =	swait.ge [sflag:s7], $0x3200  }
0x22: {  	s4 =	simm.s32 $0x0;
	[sflag:s7] =	ssyncset.done $0x0  }
0x23: {  	s3 =	simm.s32 $0x140;
	s6 =	rddreg [dreg:$0x5];
	[sflag:s7] =	ssyncadd.s32 $0xFFFFCE00  }
0x24: {  	[tilespmem:s8], [sflag:$0x1] =	stream.indirect.gather [hbm4b:s2+s22], $0x80, s1, s22, $0xb8;
	[tilespmem:$0x17200] =	vst v63  }
.LBB2_8:
0x25: {  	p0 =	seq.s32 s4, $0x27  }
0x26: {  	s5 =	simm.s32 @!p0 $0x3  }
0x27: {  	_ =	swait.ge @!p0 [sflag:s5], $0xA000  }
0x28: {  	[sflag:s5] =	ssyncset.done @!p0 $0x0  }
0x29: {  	s1 =	simm.s32 @!p0 $0x3200;
	[sflag:s5] =	ssyncadd.s32 @!p0 $0xFFFF6000;
	s5 =	simm.s32 @!p0 $0x140  }
0x2a: {  	[tilespmem:s1], [sflag:$0x1] =	stream.indirect.gather @!p0 [hbm4b:s2+s5], $0x80, s3, s5, $0xb8;
	[tilespmem:$0x17200] =	vst v63  }
0x2b: {  	_ =	swait.ge [sflag:s9], $0xA000  }
0x2c: {  	[sflag:s9] =	ssyncset.done $0x0  }
0x2d: {  	[sflag:s9] =	ssyncadd.s32 $0xFFFF6000  }
0x2e: {  	[hbm4b:s6+s10] =	stream.strided.scatter [tilespmem:s12], [sflag:$0x4], $0x1400, s11, s10, $0x38;
	[tilespmem:$0x17200] =	vst v63  }
0x2f: {  	s5 =	sadd.s32 $0x10, s6  }
0x30: {  	[hbm4b:s5+s10] =	stream.strided.scatter [tilespmem:s13], [sflag:$0x4], $0x1400, s11, s10, $0x38;
	[tilespmem:$0x17200] =	vst v63  }
0x31: {  	s5 =	sadd.s32 $0x20, s6  }
0x32: {  	[hbm4b:s5+s10] =	stream.strided.scatter [tilespmem:s14], [sflag:$0x4], $0x1400, s11, s10, $0x38;
	[tilespmem:$0x17200] =	vst v63  }
0x33: {  	s5 =	sadd.s32 $0x30, s6  }
0x34: {  	[hbm4b:s5+s10] =	stream.strided.scatter [tilespmem:s15], [sflag:$0x4], $0x1400, s11, s10, $0x38;
	[tilespmem:$0x17200] =	vst v63  }
0x35: {  	s5 =	sadd.s32 $0x40, s6  }
0x36: {  	[hbm4b:s5+s10] =	stream.strided.scatter [tilespmem:s16], [sflag:$0x4], $0x1400, s11, s10, $0x38;
	[tilespmem:$0x17200] =	vst v63  }
0x37: {  	s5 =	sadd.s32 $0x50, s6  }
0x38: {  	[hbm4b:s5+s10] =	stream.strided.scatter [tilespmem:s17], [sflag:$0x4], $0x1400, s11, s10, $0x38;
	[tilespmem:$0x17200] =	vst v63  }
0x39: {  	s5 =	sadd.s32 $0x60, s6  }
0x3a: {  	[hbm4b:s5+s10] =	stream.strided.scatter [tilespmem:s18], [sflag:$0x4], $0x1400, s11, s10, $0x38;
	[tilespmem:$0x17200] =	vst v63  }
0x3b: {  	s5 =	sadd.s32 $0x70, s6  }
0x3c: {  	[hbm4b:s5+s10] =	stream.strided.scatter [tilespmem:s19], [sflag:$0x4], $0x1400, s11, s10, $0x38;
	[tilespmem:$0x17200] =	vst v63  }
.LBB2_9:
0x3d: {  	s4 =	sadd.s32 $0x1, s4  }
0x3e: {  	p0 =	sne.s32 s4, $0x28  }
.Ltmp3:
0x3f: {  	_ = 	snop;
	(pc) =	sbr.rel @!p0 .LBB2_10-.Ltmp3, $2  }
0x40: {  	_ =	sdelay $0x2  }
0x41: {  	s3 =	sadd.s32 $0x140, s3;
	s6 =	sadd.s32 $0x1400, s6  }
.LBB2_2:
0x42: {  	s5 =	sand.u32 $0x1, s4  }
0x43: {  	p0 =	seq.s32 s5, $0x1  }
.Ltmp4:
0x44: {  	_ = 	snop;
	(pc) =	sbr.rel @p0 .LBB2_8-.Ltmp4, $1  }
0x45: {  	_ =	sdelay $0x3  }
0x46: {  	p0 =	seq.s32 s4, $0x0  }
.Ltmp5:
0x47: {  	_ = 	snop;
	(pc) =	sbr.rel @p0 .LBB2_6-.Ltmp5, $1  }
0x48: {  	_ =	sdelay $0x3  }
0x49: {  	p0 =	seq.s32 s4, $0x27  }
.Ltmp6:
0x4a: {  	_ = 	snop;
	(pc) =	sbr.rel @p0 .LBB2_7-.Ltmp6, $1  }
0x4b: {  	_ =	sdelay $0x3  }
0x4c: {  	_ =	swait.ge [sflag:s21], $0xA000  }
0x4d: {  	[sflag:s21] =	ssyncset.done $0x0  }
0x4e: {  	[sflag:s21] =	ssyncadd.s32 $0xFFFF6000  }
.LBB2_6:
0x4f: {  	[tilespmem:s12], [sflag:$0x2] =	stream.indirect.gather [hbm4b:s2+s22], $0x80, s3, s22, $0xb8;
	[tilespmem:$0x17200] =	vst v63  }
.LBB2_7:
0x50: {  	_ =	swait.ge [sflag:s23], $0xA000  }
0x51: {  	[sflag:s23] =	ssyncset.done $0x0  }
0x52: {  	[sflag:s23] =	ssyncadd.s32 $0xFFFF6000  }
0x53: {  	[hbm4b:s6+s10] =	stream.strided.scatter [tilespmem:s8], [sflag:$0x3], $0x1400, s11, s10, $0x38;
	[tilespmem:$0x17200] =	vst v63  }
0x54: {  	s5 =	sadd.s32 $0x10, s6  }
0x55: {  	[hbm4b:s5+s10] =	stream.strided.scatter [tilespmem:s24], [sflag:$0x3], $0x1400, s11, s10, $0x38;
	[tilespmem:$0x17200] =	vst v63  }
0x56: {  	s1 =	sadd.s32 $0x20, s6  }
0x57: {  	[hbm4b:s1+s10] =	stream.strided.scatter [tilespmem:s25], [sflag:$0x3], $0x1400, s11, s10, $0x38;
	[tilespmem:$0x17200] =	vst v63  }
0x58: {  	s1 =	sadd.s32 $0x30, s6  }
0x59: {  	[hbm4b:s1+s10] =	stream.strided.scatter [tilespmem:s26], [sflag:$0x3], $0x1400, s11, s10, $0x38;
	[tilespmem:$0x17200] =	vst v63  }
0x5a: {  	s1 =	sadd.s32 $0x40, s6  }
0x5b: {  	[hbm4b:s1+s10] =	stream.strided.scatter [tilespmem:s28], [sflag:$0x3], $0x1400, s11, s10, $0x38;
	[tilespmem:$0x17200] =	vst v63  }
0x5c: {  	s1 =	sadd.s32 $0x50, s6  }
0x5d: {  	[hbm4b:s1+s10] =	stream.strided.scatter [tilespmem:s29], [sflag:$0x3], $0x1400, s11, s10, $0x38;
	[tilespmem:$0x17200] =	vst v63  }
.Ltmp7:
0x5e: {  	_ = 	snop;
	(pc) =	sbr.rel .LBB2_9-.Ltmp7, $4  }
0x5f: {  	s1 =	sadd.s32 $0x60, s6  }
0x60: {  	[hbm4b:s1+s10] =	stream.strided.scatter [tilespmem:s30], [sflag:$0x3], $0x1400, s11, s10, $0x38;
	[tilespmem:$0x17200] =	vst v63  }
0x61: {  	s1 =	sadd.s32 $0x70, s6  }
0x62: {  	[hbm4b:s1+s10] =	stream.strided.scatter [tilespmem:s31], [sflag:$0x3], $0x1400, s11, s10, $0x38;
	[tilespmem:$0x17200] =	vst v63  }
.LBB2_11:
0x63: {  	_ =	sfence.sel $0x180000  }
0x64: {  	[bflag:$0x0] =	sbarrier.arrive $0xFFFF  }
0x65: {  	_ =	strace $0x9000004A  }
0x66: {  	s0 =	stileid.u32;
	[bflag:$0x2] =	sbarrier.arrive $0xFFFF  }
0x67: {  	p0 =	sne.s32 s0, $0x0;
	s0 =	rddreg [dreg:$0x2]  }
0x68: {  	s0 =	sadd.s32 @!p0 $0x100000, s0  }
0x69: {  	[sflag:s0] =	ssyncadd.tile.s32 @!p0 $0x1;
	_ =	shalt  }
.Lfunc_end2:
_tile_overlayer_lowered:
.L_overlay_start_2:
0x6a: {  	(tag) =	ssettag $0x2  }
0x6b: {  	s0 =	rddreg [dreg:$0x0];
	s2 =	stileid.u32  }
0x6c: {  	s1 =	rddreg [dreg:$0x1];
	p0 =	sne.s32 s2, $0x0  }
0x6d: {  	s3 =	rddreg [dreg:$0x2];
	[bflag:$0x3] =	sbarrier.arrive $0xFFFF;
	s2 =	simm.s32 @!p0 $0x1C05  }
0x6e: {  	[timem:s3], [sflag:s2] =	dma.local @!p0 [hbm:s0], s1  }
0x6f: {  	s0 =	simm.s32 @!p0 $0x5  }
0x70: {  	_ =	swait.ge @!p0 [sflag:s0], s1  }
0x71: {  	s1 =	ssub.s32 @!p0 $0x0, s1;
	[sflag:s0] =	ssyncset.done @!p0 $0x0  }
0x72: {  	[sflag:s0] =	ssyncadd.s32 @!p0 s1  }
0x73: {  	[bflag:$0x3] =	sbarrier.arrive $0xFFFF  }
0x74: {  	_ =	shalt  }

</sc_bundles>
